<compile_context>
chip_gen: v7x
topology: tpu7x:2x2x1
jax: 0.10.2.dev20260603
libtpu: 0.0.44.dev20260713+nightly
codegen_flags: <defaults>
</compile_context>

<pallas_src>
import functools

import jax
import jax.numpy as jnp
from jax import lax
from jax.experimental import pallas as pl
from jax.experimental.pallas import tpu as pltpu
from jax.experimental.pallas import tpu_sc as plsc

N = 10000
D = 128
H = 128
G = 64
E = 320000

NC = 2
NS = 16
NW = NC * NS
E2 = 2 * E
EPW = E2 // NW
K = 80
NPROC = 252
NCHUNK2 = 256
N_PAD = 10240
RPT = N_PAD // NS


def _sc_aggregate(x, zinit, srcr, dstr):
    mesh = plsc.VectorSubcoreMesh(core_axis_name="c", subcore_axis_name="s")

    @functools.partial(
        pl.kernel,
        out_type=jax.ShapeDtypeStruct((NC, N_PAD, D), jnp.float32),
        mesh=mesh,
        scratch_types=[
            [pltpu.VMEM((K,), jnp.int32)] * 4,
            [pltpu.VMEM((K,), jnp.int32)] * 4,
            [pltpu.VMEM((K, D), jnp.float32)] * 2,
            pltpu.VMEM_SHARED((N_PAD, D), jnp.float32),
            [pltpu.SemaphoreType.DMA] * 4,
            [pltpu.SemaphoreType.DMA] * 2,
        ],
    )
    def sc_kernel(x_hbm, init_hbm, src_hbm, dst_hbm, out_hbm,
                  es, ed, rows, acc, isem, gsem):
        c = lax.axis_index("c")
        s = lax.axis_index("s")
        w = c * NS + s
        base = w * (NCHUNK2 * K)

        pltpu.sync_copy(init_hbm.at[pl.ds(s * RPT, RPT)],
                        acc.at[pl.ds(s * RPT, RPT)])
        plsc.subcore_barrier()

        def idx_start(chunk, p):
            off = pl.multiple_of(base + chunk * K, 8)
            pltpu.async_copy(src_hbm.at[pl.ds(off, K)], es[p], isem[p])
            pltpu.async_copy(dst_hbm.at[pl.ds(off, K)], ed[p], isem[p])

        def idx_wait(p):
            pltpu.make_async_copy(src_hbm.at[pl.ds(0, K)], es[p], isem[p]).wait()
            pltpu.make_async_copy(dst_hbm.at[pl.ds(0, K)], ed[p], isem[p]).wait()

        def gather_start(p, r):
            h = K // 2
            pltpu.async_copy(x_hbm.at[es[p].at[pl.ds(0, h)]],
                             rows[r].at[pl.ds(0, h)], gsem[r])
            pltpu.async_copy(x_hbm.at[es[p].at[pl.ds(h, h)]],
                             rows[r].at[pl.ds(h, h)], gsem[r])

        def gather_wait(p, r):
            pltpu.make_async_copy(x_hbm.at[es[p]], rows[r], gsem[r]).wait()

        def scatter(p, r):
            pltpu.sync_copy(rows[r], acc.at[ed[p]], add=True)

        for p in range(4):
            idx_start(p, p)
        idx_wait(0)
        gather_start(0, 0)

        def body(j, carry):
            c0 = 4 * j
            idx_wait(1); gather_start(1, 1)
            gather_wait(0, 0); scatter(0, 0); idx_start(c0 + 4, 0)
            idx_wait(2); gather_start(2, 0)
            gather_wait(1, 1); scatter(1, 1); idx_start(c0 + 5, 1)
            idx_wait(3); gather_start(3, 1)
            gather_wait(2, 0); scatter(2, 0); idx_start(c0 + 6, 2)
            idx_wait(0); gather_start(0, 0)
            gather_wait(3, 1); scatter(3, 1); idx_start(c0 + 7, 3)
            return carry

        lax.fori_loop(0, NPROC // 4, body, 0)
        gather_wait(0, 0)
        idx_wait(1); idx_wait(2); idx_wait(3)
        plsc.subcore_barrier()

        pltpu.sync_copy(acc.at[pl.ds(s * RPT, RPT)],
                        out_hbm.at[c, pl.ds(s * RPT, RPT)])

    return sc_kernel(x, zinit, srcr, dstr)


RB = 640
NB = N_PAD // RB


def _tc_mlp_readout(xp, a0, a1, batch3, W1t, b1r, W2t, b2r):

    def body(x_ref, a0_ref, a1_ref, b_ref, w1_ref, b1_ref, w2_ref, b2_ref,
             out_ref, acc, cnt):
        i = pl.program_id(0)

        @pl.when(i == 0)
        def _():
            acc[...] = jnp.zeros_like(acc)
            cnt[...] = jnp.zeros_like(cnt)

        s = x_ref[...] + a0_ref[...] + a1_ref[...]
        h = jnp.dot(s, w1_ref[...], preferred_element_type=jnp.float32)
        h = jnp.maximum(h + b1_ref[...], 0.0)
        h = jnp.dot(h, w2_ref[...], preferred_element_type=jnp.float32)
        h = jnp.maximum(h + b2_ref[...], 0.0)

        ids = b_ref[0]
        seg = (ids == lax.broadcasted_iota(jnp.int32, (G, RB), 0))
        segf = seg.astype(jnp.float32)
        acc[...] += jnp.dot(segf, h, preferred_element_type=jnp.float32)
        cnt[...] += jnp.broadcast_to(
            jnp.sum(segf, axis=1, keepdims=True), (G, D))

        @pl.when(i == NB - 1)
        def _():
            out_ref[...] = acc[...] / jnp.maximum(cnt[...], 1.0)

    return pl.pallas_call(
        body,
        grid=(NB,),
        in_specs=[
            pl.BlockSpec((RB, D), lambda i: (i, 0)),
            pl.BlockSpec((RB, D), lambda i: (i, 0)),
            pl.BlockSpec((RB, D), lambda i: (i, 0)),
            pl.BlockSpec((1, 1, RB), lambda i: (i, 0, 0)),
            pl.BlockSpec((D, H), lambda i: (0, 0)),
            pl.BlockSpec((1, H), lambda i: (0, 0)),
            pl.BlockSpec((H, H), lambda i: (0, 0)),
            pl.BlockSpec((1, H), lambda i: (0, 0)),
        ],
        out_specs=pl.BlockSpec((G, D), lambda i: (0, 0)),
        out_shape=jax.ShapeDtypeStruct((G, D), jnp.float32),
        scratch_shapes=[
            pltpu.VMEM((G, D), jnp.float32),
            pltpu.VMEM((G, D), jnp.float32),
        ],
    )(xp, a0, a1, batch3, W1t, b1r, W2t, b2r)


def kernel(x, edge_index, batch, W1, b1, W2, b2):
    src, dst = edge_index[0], edge_index[1]
    src2 = jnp.concatenate([src, dst]).reshape(NW, EPW)
    dst2 = jnp.concatenate([dst, src]).reshape(NW, EPW)
    pad = NCHUNK2 * K - EPW
    srcr = jnp.pad(src2, ((0, 0), (0, pad))).reshape(-1)
    dpad = (N + jnp.arange(pad, dtype=jnp.int32) % (N_PAD - N))
    dstr = jnp.concatenate(
        [dst2, jnp.broadcast_to(dpad, (NW, pad))], axis=1).reshape(-1)
    x_pad = jnp.pad(x, ((0, N_PAD - N), (0, 0)))
    zinit = jnp.zeros((N_PAD, D), jnp.float32)

    parts = _sc_aggregate(x, zinit, srcr, dstr)

    batch3 = jnp.pad(batch, (0, N_PAD - N), constant_values=G).reshape(NB, 1, RB)
    out = _tc_mlp_readout(x_pad, parts[0], parts[1], batch3,
                          W1.T, b1.reshape(1, H), W2.T, b2.reshape(1, H))
    return out

# --- scband reference (transcript-rebuilt; emitter-appended) ---
"""Pipeline reference for scband-gin-70119636075132 (READ-ONLY COPY).

The authoritative reference and input builder live on the scoring server;
editing this copy changes nothing except your own understanding.
"""

import jax, jax.numpy as jnp
import numpy as np

N = 10000
E = 320000
D = 128
H = 128
G = 64


def _glorot(key, shape):
    fan_in, fan_out = shape[1], shape[0]
    limit = float(np.sqrt(6.0 / (fan_in + fan_out)))
    return jax.random.uniform(key, shape, dtype=jnp.float32, minval=-limit, maxval=limit)


def setup_inputs(seed: int = 0) -> dict:
    key = jax.random.key(seed)
    ks = jax.random.split(key, 6)
    x = jax.random.normal(ks[0], (N, D), dtype=jnp.float32)
    edge_index = jax.random.randint(ks[1], (2, E), 0, N, dtype=jnp.int32)
    batch = jnp.sort(jax.random.randint(ks[2], (N,), 0, G, dtype=jnp.int32))
    W1 = _glorot(ks[3], (H, D))
    b1 = jnp.zeros((H,), dtype=jnp.float32)
    W2 = _glorot(ks[4], (H, H))
    b2 = jnp.zeros((H,), dtype=jnp.float32)
    return {"x": x, "edge_index": edge_index, "batch": batch, "W1": W1, "b1": b1, "W2": W2, "b2": b2}


def reference(x, edge_index, batch, W1, b1, W2, b2):
    # to_undirected: symmetrize edge set (concat reversed edges)
    ei = jnp.concatenate([edge_index, edge_index[::-1, :]], axis=1)
    src, dst = ei[0], ei[1]
    # GINConv with eps=0: h_i = MLP((1+eps)*x_i + sum_{j in N(i)} x_j)
    agg = jnp.zeros_like(x).at[dst].add(x[src])
    h = x + agg
    h = jnp.maximum(h @ W1.T + b1, 0.0)
    h = h @ W2.T + b2
    # outer ReLU
    h = jnp.maximum(h, 0.0)
    # scatter_mean over batch vector -> graph-level readout
    sums = jax.ops.segment_sum(h, batch, num_segments=G)
    counts = jax.ops.segment_sum(jnp.ones((h.shape[0],), dtype=h.dtype), batch, num_segments=G)
    return sums / jnp.clip(counts, 1.0)[:, None]

if __name__ == "__main__":
    import jax
    _d = setup_inputs()
    print(jax.jit(kernel)(*tuple(_d.values())))

</pallas_src>

<mosaic_0001>
#map = affine_map<(d0, d1) -> (0, 0)>
#map1 = affine_map<(d0, d1) -> (0)>
#map2 = affine_map<(d0, d1) -> (0, 0, 0)>
module attributes {stable_mosaic.version = 14 : i64} {
  func.func @sc_kernel(%arg0: i32, %arg1: i32, %arg2: memref<10000x128xf32, #tpu.memory_space<hbm>>, %arg3: memref<10240x128xf32, #tpu.memory_space<hbm>>, %arg4: memref<655360xi32, #tpu.memory_space<hbm>>, %arg5: memref<655360xi32, #tpu.memory_space<hbm>>, %arg6: memref<2x10240x128xf32, #tpu.memory_space<hbm>>, %arg7: memref<80xi32, #tpu.memory_space<vmem>>, %arg8: memref<80xi32, #tpu.memory_space<vmem>>, %arg9: memref<80xi32, #tpu.memory_space<vmem>>, %arg10: memref<80xi32, #tpu.memory_space<vmem>>, %arg11: memref<80xi32, #tpu.memory_space<vmem>>, %arg12: memref<80xi32, #tpu.memory_space<vmem>>, %arg13: memref<80xi32, #tpu.memory_space<vmem>>, %arg14: memref<80xi32, #tpu.memory_space<vmem>>, %arg15: memref<80x128xf32, #tpu.memory_space<vmem>>, %arg16: memref<80x128xf32, #tpu.memory_space<vmem>>, %arg17: memref<10240x128xf32, #tpu.memory_space<vmem_shared>>, %arg18: memref<!tpu.dma_semaphore, #tpu.memory_space<semaphore_mem>>, %arg19: memref<!tpu.dma_semaphore, #tpu.memory_space<semaphore_mem>>, %arg20: memref<!tpu.dma_semaphore, #tpu.memory_space<semaphore_mem>>, %arg21: memref<!tpu.dma_semaphore, #tpu.memory_space<semaphore_mem>>, %arg22: memref<!tpu.dma_semaphore, #tpu.memory_space<semaphore_mem>>, %arg23: memref<!tpu.dma_semaphore, #tpu.memory_space<semaphore_mem>>) attributes {dimension_semantics = [#tpu.dimension_semantics<core_parallel>, #tpu.dimension_semantics<subcore_parallel>], iteration_bounds = array<i64: 2, 16>, scalar_prefetch = 0 : i64, scratch_operands = 17 : i64, tpu.core_type = #tpu.core_type<sc_vector_subcore>, window_params = [{transform_indices = #map}, {transform_indices = #map}, {transform_indices = #map1}, {transform_indices = #map1}, {transform_indices = #map2}]} {
    %mul3A = arith.constant 16 : i32
    %mul3A_0 = arith.muli %arg0, %mul3A : i32
    %add3A = arith.addi %mul3A_0, %arg1 : i32
    %mul3A_1 = arith.constant 20480 : i32
    %mul3A_2 = arith.muli %add3A, %mul3A_1 : i32
    %mul3A_3 = arith.constant 640 : i32
    %mul3A_4 = arith.muli %arg1, %mul3A_3 : i32
    %mul3A_5 = arith.constant 640 : i32
    %mul3A_6 = arith.muli %arg1, %mul3A_5 : i32
    "tpu.region"() ({
      %run_scoped3A = tpu.sem_alloc : memref<!tpu.dma_semaphore, #tpu.memory_space<semaphore_mem>>
      %dma_start3A_93 = arith.constant 0 : i32
      %dma_start3A_94 = tpu.memref_slice %arg17[%mul3A_6, %dma_start3A_93] : memref<10240x128xf32, #tpu.memory_space<vmem_shared>> -> memref<640x128xf32, #tpu.memory_space<vmem_shared>>
      %dma_start3A_95 = arith.constant 0 : i32
      %dma_start3A_96 = tpu.memref_slice %arg3[%mul3A_4, %dma_start3A_95] : memref<10240x128xf32, #tpu.memory_space<hbm>> -> memref<640x128xf32, #tpu.memory_space<hbm>>
      tpu.enqueue_dma source(%dma_start3A_96 : memref<640x128xf32, #tpu.memory_space<hbm>>) target(%dma_start3A_94 : memref<640x128xf32, #tpu.memory_space<vmem_shared>>) target_semaphore(%run_scoped3A : memref<!tpu.dma_semaphore, #tpu.memory_space<semaphore_mem>>)
      %dma_wait3A_97 = arith.constant 0 : i32
      %dma_wait3A_98 = tpu.memref_slice %arg17[%mul3A_6, %dma_wait3A_97] : memref<10240x128xf32, #tpu.memory_space<vmem_shared>> -> memref<640x128xf32, #tpu.memory_space<vmem_shared>>
      %dma_wait3A_99 = arith.constant 0 : i32
      %dma_wait3A_100 = tpu.memref_slice %arg3[%mul3A_4, %dma_wait3A_99] : memref<10240x128xf32, #tpu.memory_space<hbm>> -> memref<640x128xf32, #tpu.memory_space<hbm>>
      tpu.wait_dma2 semaphore(%run_scoped3A : memref<!tpu.dma_semaphore, #tpu.memory_space<semaphore_mem>>) src(%dma_wait3A_100 : memref<640x128xf32, #tpu.memory_space<hbm>>) dst(%dma_wait3A_98 : memref<640x128xf32, #tpu.memory_space<vmem_shared>>)
      tpu.yield
    }) : () -> ()
    %barrier3A = arith.constant 0 : index
    tpu.barrier barrier_id(%barrier3A)
    %add3A_7 = arith.constant 0 : i32
    %add3A_8 = arith.addi %mul3A_2, %add3A_7 : i32
    %multiple_of3A = tpu.assume_multiple %add3A_8, 8 : i32
    %dma_start3A = tpu.memref_slice %arg4[%multiple_of3A] : memref<655360xi32, #tpu.memory_space<hbm>> -> memref<80xi32, #tpu.memory_space<hbm>>
    %dma_start3A_9 = tpu.memref_slice %arg4[%multiple_of3A] : memref<655360xi32, #tpu.memory_space<hbm>> -> memref<80xi32, #tpu.memory_space<hbm>>
    tpu.enqueue_dma source(%dma_start3A_9 : memref<80xi32, #tpu.memory_space<hbm>>) target(%arg7 : memref<80xi32, #tpu.memory_space<vmem>>) target_semaphore(%arg18 : memref<!tpu.dma_semaphore, #tpu.memory_space<semaphore_mem>>)
    %dma_start3A_10 = tpu.memref_slice %arg5[%multiple_of3A] : memref<655360xi32, #tpu.memory_space<hbm>> -> memref<80xi32, #tpu.memory_space<hbm>>
    %dma_start3A_11 = tpu.memref_slice %arg5[%multiple_of3A] : memref<655360xi32, #tpu.memory_space<hbm>> -> memref<80xi32, #tpu.memory_space<hbm>>
    tpu.enqueue_dma source(%dma_start3A_11 : memref<80xi32, #tpu.memory_space<hbm>>) target(%arg11 : memref<80xi32, #tpu.memory_space<vmem>>) target_semaphore(%arg18 : memref<!tpu.dma_semaphore, #tpu.memory_space<semaphore_mem>>)
    %add3A_12 = arith.constant 80 : i32
    %add3A_13 = arith.addi %mul3A_2, %add3A_12 : i32
    %multiple_of3A_14 = tpu.assume_multiple %add3A_13, 8 : i32
    %dma_start3A_15 = tpu.memref_slice %arg4[%multiple_of3A_14] : memref<655360xi32, #tpu.memory_space<hbm>> -> memref<80xi32, #tpu.memory_space<hbm>>
    %dma_start3A_16 = tpu.memref_slice %arg4[%multiple_of3A_14] : memref<655360xi32, #tpu.memory_space<hbm>> -> memref<80xi32, #tpu.memory_space<hbm>>
    tpu.enqueue_dma source(%dma_start3A_16 : memref<80xi32, #tpu.memory_space<hbm>>) target(%arg8 : memref<80xi32, #tpu.memory_space<vmem>>) target_semaphore(%arg19 : memref<!tpu.dma_semaphore, #tpu.memory_space<semaphore_mem>>)
    %dma_start3A_17 = tpu.memref_slice %arg5[%multiple_of3A_14] : memref<655360xi32, #tpu.memory_space<hbm>> -> memref<80xi32, #tpu.memory_space<hbm>>
    %dma_start3A_18 = tpu.memref_slice %arg5[%multiple_of3A_14] : memref<655360xi32, #tpu.memory_space<hbm>> -> memref<80xi32, #tpu.memory_space<hbm>>
    tpu.enqueue_dma source(%dma_start3A_18 : memref<80xi32, #tpu.memory_space<hbm>>) target(%arg12 : memref<80xi32, #tpu.memory_space<vmem>>) target_semaphore(%arg19 : memref<!tpu.dma_semaphore, #tpu.memory_space<semaphore_mem>>)
    %add3A_19 = arith.constant 160 : i32
    %add3A_20 = arith.addi %mul3A_2, %add3A_19 : i32
    %multiple_of3A_21 = tpu.assume_multiple %add3A_20, 8 : i32
    %dma_start3A_22 = tpu.memref_slice %arg4[%multiple_of3A_21] : memref<655360xi32, #tpu.memory_space<hbm>> -> memref<80xi32, #tpu.memory_space<hbm>>
    %dma_start3A_23 = tpu.memref_slice %arg4[%multiple_of3A_21] : memref<655360xi32, #tpu.memory_space<hbm>> -> memref<80xi32, #tpu.memory_space<hbm>>
    tpu.enqueue_dma source(%dma_start3A_23 : memref<80xi32, #tpu.memory_space<hbm>>) target(%arg9 : memref<80xi32, #tpu.memory_space<vmem>>) target_semaphore(%arg20 : memref<!tpu.dma_semaphore, #tpu.memory_space<semaphore_mem>>)
    %dma_start3A_24 = tpu.memref_slice %arg5[%multiple_of3A_21] : memref<655360xi32, #tpu.memory_space<hbm>> -> memref<80xi32, #tpu.memory_space<hbm>>
    %dma_start3A_25 = tpu.memref_slice %arg5[%multiple_of3A_21] : memref<655360xi32, #tpu.memory_space<hbm>> -> memref<80xi32, #tpu.memory_space<hbm>>
    tpu.enqueue_dma source(%dma_start3A_25 : memref<80xi32, #tpu.memory_space<hbm>>) target(%arg13 : memref<80xi32, #tpu.memory_space<vmem>>) target_semaphore(%arg20 : memref<!tpu.dma_semaphore, #tpu.memory_space<semaphore_mem>>)
    %add3A_26 = arith.constant 240 : i32
    %add3A_27 = arith.addi %mul3A_2, %add3A_26 : i32
    %multiple_of3A_28 = tpu.assume_multiple %add3A_27, 8 : i32
    %dma_start3A_29 = tpu.memref_slice %arg4[%multiple_of3A_28] : memref<655360xi32, #tpu.memory_space<hbm>> -> memref<80xi32, #tpu.memory_space<hbm>>
    %dma_start3A_30 = tpu.memref_slice %arg4[%multiple_of3A_28] : memref<655360xi32, #tpu.memory_space<hbm>> -> memref<80xi32, #tpu.memory_space<hbm>>
    tpu.enqueue_dma source(%dma_start3A_30 : memref<80xi32, #tpu.memory_space<hbm>>) target(%arg10 : memref<80xi32, #tpu.memory_space<vmem>>) target_semaphore(%arg21 : memref<!tpu.dma_semaphore, #tpu.memory_space<semaphore_mem>>)
    %dma_start3A_31 = tpu.memref_slice %arg5[%multiple_of3A_28] : memref<655360xi32, #tpu.memory_space<hbm>> -> memref<80xi32, #tpu.memory_space<hbm>>
    %dma_start3A_32 = tpu.memref_slice %arg5[%multiple_of3A_28] : memref<655360xi32, #tpu.memory_space<hbm>> -> memref<80xi32, #tpu.memory_space<hbm>>
    tpu.enqueue_dma source(%dma_start3A_32 : memref<80xi32, #tpu.memory_space<hbm>>) target(%arg14 : memref<80xi32, #tpu.memory_space<vmem>>) target_semaphore(%arg21 : memref<!tpu.dma_semaphore, #tpu.memory_space<semaphore_mem>>)
    %dma_wait3A = arith.constant 0 : i32
    %dma_wait3A_33 = tpu.memref_slice %arg4[%dma_wait3A] : memref<655360xi32, #tpu.memory_space<hbm>> -> memref<80xi32, #tpu.memory_space<hbm>>
    %dma_wait3A_34 = arith.constant 0 : i32
    %dma_wait3A_35 = tpu.memref_slice %arg4[%dma_wait3A_34] : memref<655360xi32, #tpu.memory_space<hbm>> -> memref<80xi32, #tpu.memory_space<hbm>>
    tpu.wait_dma2 semaphore(%arg18 : memref<!tpu.dma_semaphore, #tpu.memory_space<semaphore_mem>>) src(%dma_wait3A_35 : memref<80xi32, #tpu.memory_space<hbm>>) dst(%arg7 : memref<80xi32, #tpu.memory_space<vmem>>)
    %dma_wait3A_36 = arith.constant 0 : i32
    %dma_wait3A_37 = tpu.memref_slice %arg5[%dma_wait3A_36] : memref<655360xi32, #tpu.memory_space<hbm>> -> memref<80xi32, #tpu.memory_space<hbm>>
    %dma_wait3A_38 = arith.constant 0 : i32
    %dma_wait3A_39 = tpu.memref_slice %arg5[%dma_wait3A_38] : memref<655360xi32, #tpu.memory_space<hbm>> -> memref<80xi32, #tpu.memory_space<hbm>>
    tpu.wait_dma2 semaphore(%arg18 : memref<!tpu.dma_semaphore, #tpu.memory_space<semaphore_mem>>) src(%dma_wait3A_39 : memref<80xi32, #tpu.memory_space<hbm>>) dst(%arg11 : memref<80xi32, #tpu.memory_space<vmem>>)
    %dma_start3A_40 = arith.constant 0 : i32
    %dma_start3A_41 = arith.constant 0 : i32
    %dma_start3A_42 = tpu.memref_slice %arg15[%dma_start3A_40, %dma_start3A_41] : memref<80x128xf32, #tpu.memory_space<vmem>> -> memref<40x128xf32, #tpu.memory_space<vmem>>
    %dma_start3A_43 = arith.constant 0 : i32
    %dma_start3A_44 = tpu.memref_slice %arg7[%dma_start3A_43] : memref<80xi32, #tpu.memory_space<vmem>> -> memref<40xi32, #tpu.memory_space<vmem>>
    %dma_start3A_45 = arith.constant 0 : i32
    %dma_start3A_46 = arith.constant 0 : i32
    %dma_start3A_47 = tpu.memref_slice %arg2[%dma_start3A_45, %dma_start3A_46] : memref<10000x128xf32, #tpu.memory_space<hbm>> -> memref<10000x128xf32, #tpu.memory_space<hbm>>
    tpu.enqueue_indirect_dma source(%dma_start3A_47 : memref<10000x128xf32, #tpu.memory_space<hbm>>) target(%dma_start3A_42 : memref<40x128xf32, #tpu.memory_space<vmem>>) offsets(%dma_start3A_44 : memref<40xi32, #tpu.memory_space<vmem>>) semaphore(%arg22 : memref<!tpu.dma_semaphore, #tpu.memory_space<semaphore_mem>>)
    %dma_start3A_48 = arith.constant 40 : i32
    %dma_start3A_49 = arith.constant 0 : i32
    %dma_start3A_50 = tpu.memref_slice %arg15[%dma_start3A_48, %dma_start3A_49] : memref<80x128xf32, #tpu.memory_space<vmem>> -> memref<40x128xf32, #tpu.memory_space<vmem>>
    %dma_start3A_51 = arith.constant 40 : i32
    %dma_start3A_52 = tpu.memref_slice %arg7[%dma_start3A_51] : memref<80xi32, #tpu.memory_space<vmem>> -> memref<40xi32, #tpu.memory_space<vmem>>
    %dma_start3A_53 = arith.constant 0 : i32
    %dma_start3A_54 = arith.constant 0 : i32
    %dma_start3A_55 = tpu.memref_slice %arg2[%dma_start3A_53, %dma_start3A_54] : memref<10000x128xf32, #tpu.memory_space<hbm>> -> memref<10000x128xf32, #tpu.memory_space<hbm>>
    tpu.enqueue_indirect_dma source(%dma_start3A_55 : memref<10000x128xf32, #tpu.memory_space<hbm>>) target(%dma_start3A_50 : memref<40x128xf32, #tpu.memory_space<vmem>>) offsets(%dma_start3A_52 : memref<40xi32, #tpu.memory_space<vmem>>) semaphore(%arg22 : memref<!tpu.dma_semaphore, #tpu.memory_space<semaphore_mem>>)
    %scan3A = arith.constant 0 : i32
    %scan3A_56 = arith.constant 0 : i32
    %scan3A_57 = arith.constant 63 : i32
    %scan3A_58 = arith.addi %scan3A_56, %scan3A_57 : i32
    %scan3A_59 = arith.constant 1 : i32
    scf.for %scan3A_93 = %scan3A_56 to %scan3A_58 step %scan3A_59  : i32 {
      %mul3A_94 = arith.constant 4 : i32
      %mul3A_95 = arith.muli %mul3A_94, %scan3A_93 : i32
      %dma_wait3A_96 = arith.constant 0 : i32
      %dma_wait3A_97 = tpu.memref_slice %arg4[%dma_wait3A_96] : memref<655360xi32, #tpu.memory_space<hbm>> -> memref<80xi32, #tpu.memory_space<hbm>>
      %dma_wait3A_98 = arith.constant 0 : i32
      %dma_wait3A_99 = tpu.memref_slice %arg4[%dma_wait3A_98] : memref<655360xi32, #tpu.memory_space<hbm>> -> memref<80xi32, #tpu.memory_space<hbm>>
      tpu.wait_dma2 semaphore(%arg19 : memref<!tpu.dma_semaphore, #tpu.memory_space<semaphore_mem>>) src(%dma_wait3A_99 : memref<80xi32, #tpu.memory_space<hbm>>) dst(%arg8 : memref<80xi32, #tpu.memory_space<vmem>>)
      %dma_wait3A_100 = arith.constant 0 : i32
      %dma_wait3A_101 = tpu.memref_slice %arg5[%dma_wait3A_100] : memref<655360xi32, #tpu.memory_space<hbm>> -> memref<80xi32, #tpu.memory_space<hbm>>
      %dma_wait3A_102 = arith.constant 0 : i32
      %dma_wait3A_103 = tpu.memref_slice %arg5[%dma_wait3A_102] : memref<655360xi32, #tpu.memory_space<hbm>> -> memref<80xi32, #tpu.memory_space<hbm>>
      tpu.wait_dma2 semaphore(%arg19 : memref<!tpu.dma_semaphore, #tpu.memory_space<semaphore_mem>>) src(%dma_wait3A_103 : memref<80xi32, #tpu.memory_space<hbm>>) dst(%arg12 : memref<80xi32, #tpu.memory_space<vmem>>)
      %dma_start3A_104 = arith.constant 0 : i32
      %dma_start3A_105 = arith.constant 0 : i32
      %dma_start3A_106 = tpu.memref_slice %arg16[%dma_start3A_104, %dma_start3A_105] : memref<80x128xf32, #tpu.memory_space<vmem>> -> memref<40x128xf32, #tpu.memory_space<vmem>>
      %dma_start3A_107 = arith.constant 0 : i32
      %dma_start3A_108 = tpu.memref_slice %arg8[%dma_start3A_107] : memref<80xi32, #tpu.memory_space<vmem>> -> memref<40xi32, #tpu.memory_space<vmem>>
      %dma_start3A_109 = arith.constant 0 : i32
      %dma_start3A_110 = arith.constant 0 : i32
      %dma_start3A_111 = tpu.memref_slice %arg2[%dma_start3A_109, %dma_start3A_110] : memref<10000x128xf32, #tpu.memory_space<hbm>> -> memref<10000x128xf32, #tpu.memory_space<hbm>>
      tpu.enqueue_indirect_dma source(%dma_start3A_111 : memref<10000x128xf32, #tpu.memory_space<hbm>>) target(%dma_start3A_106 : memref<40x128xf32, #tpu.memory_space<vmem>>) offsets(%dma_start3A_108 : memref<40xi32, #tpu.memory_space<vmem>>) semaphore(%arg23 : memref<!tpu.dma_semaphore, #tpu.memory_space<semaphore_mem>>)
      %dma_start3A_112 = arith.constant 40 : i32
      %dma_start3A_113 = arith.constant 0 : i32
      %dma_start3A_114 = tpu.memref_slice %arg16[%dma_start3A_112, %dma_start3A_113] : memref<80x128xf32, #tpu.memory_space<vmem>> -> memref<40x128xf32, #tpu.memory_space<vmem>>
      %dma_start3A_115 = arith.constant 40 : i32
      %dma_start3A_116 = tpu.memref_slice %arg8[%dma_start3A_115] : memref<80xi32, #tpu.memory_space<vmem>> -> memref<40xi32, #tpu.memory_space<vmem>>
      %dma_start3A_117 = arith.constant 0 : i32
      %dma_start3A_118 = arith.constant 0 : i32
      %dma_start3A_119 = tpu.memref_slice %arg2[%dma_start3A_117, %dma_start3A_118] : memref<10000x128xf32, #tpu.memory_space<hbm>> -> memref<10000x128xf32, #tpu.memory_space<hbm>>
      tpu.enqueue_indirect_dma source(%dma_start3A_119 : memref<10000x128xf32, #tpu.memory_space<hbm>>) target(%dma_start3A_114 : memref<40x128xf32, #tpu.memory_space<vmem>>) offsets(%dma_start3A_116 : memref<40xi32, #tpu.memory_space<vmem>>) semaphore(%arg23 : memref<!tpu.dma_semaphore, #tpu.memory_space<semaphore_mem>>)
      %dma_wait3A_120 = arith.constant 0 : i32
      %dma_wait3A_121 = arith.constant 0 : i32
      %dma_wait3A_122 = tpu.memref_slice %arg2[%dma_wait3A_120, %dma_wait3A_121] : memref<10000x128xf32, #tpu.memory_space<hbm>> -> memref<10000x128xf32, #tpu.memory_space<hbm>>
      tpu.wait_indirect_dma semaphore(%arg22 : memref<!tpu.dma_semaphore, #tpu.memory_space<semaphore_mem>>) src(%dma_wait3A_122 : memref<10000x128xf32, #tpu.memory_space<hbm>>) dst(%arg15 : memref<80x128xf32, #tpu.memory_space<vmem>>)
      "tpu.region"() ({
        %run_scoped3A = tpu.sem_alloc : memref<!tpu.dma_semaphore, #tpu.memory_space<semaphore_mem>>
        %dma_start3A_244 = arith.constant 0 : i32
        %dma_start3A_245 = arith.constant 0 : i32
        %dma_start3A_246 = tpu.memref_slice %arg17[%dma_start3A_244, %dma_start3A_245] : memref<10240x128xf32, #tpu.memory_space<vmem_shared>> -> memref<10240x128xf32, #tpu.memory_space<vmem_shared>>
        tpu.enqueue_indirect_dma source(%arg15 : memref<80x128xf32, #tpu.memory_space<vmem>>) target(%dma_start3A_246 : memref<10240x128xf32, #tpu.memory_space<vmem_shared>>) offsets(%arg11 : memref<80xi32, #tpu.memory_space<vmem>>) semaphore(%run_scoped3A : memref<!tpu.dma_semaphore, #tpu.memory_space<semaphore_mem>>) {add = true}
        %dma_wait3A_247 = arith.constant 0 : i32
        %dma_wait3A_248 = arith.constant 0 : i32
        %dma_wait3A_249 = tpu.memref_slice %arg17[%dma_wait3A_247, %dma_wait3A_248] : memref<10240x128xf32, #tpu.memory_space<vmem_shared>> -> memref<10240x128xf32, #tpu.memory_space<vmem_shared>>
        tpu.wait_indirect_dma semaphore(%run_scoped3A : memref<!tpu.dma_semaphore, #tpu.memory_space<semaphore_mem>>) src(%arg15 : memref<80x128xf32, #tpu.memory_space<vmem>>) dst(%dma_wait3A_249 : memref<10240x128xf32, #tpu.memory_space<vmem_shared>>)
        tpu.yield
      }) : () -> ()
      %add3A_123 = arith.constant 4 : i32
      %add3A_124 = arith.addi %mul3A_95, %add3A_123 : i32
      %mul3A_125 = arith.constant 80 : i32
      %mul3A_126 = arith.muli %add3A_124, %mul3A_125 : i32
      %add3A_127 = arith.addi %mul3A_2, %mul3A_126 : i32
      %multiple_of3A_128 = tpu.assume_multiple %add3A_127, 8 : i32
      %dma_start3A_129 = tpu.memref_slice %arg4[%multiple_of3A_128] : memref<655360xi32, #tpu.memory_space<hbm>> -> memref<80xi32, #tpu.memory_space<hbm>>
      %dma_start3A_130 = tpu.memref_slice %arg4[%multiple_of3A_128] : memref<655360xi32, #tpu.memory_space<hbm>> -> memref<80xi32, #tpu.memory_space<hbm>>
      tpu.enqueue_dma source(%dma_start3A_130 : memref<80xi32, #tpu.memory_space<hbm>>) target(%arg7 : memref<80xi32, #tpu.memory_space<vmem>>) target_semaphore(%arg18 : memref<!tpu.dma_semaphore, #tpu.memory_space<semaphore_mem>>)
      %dma_start3A_131 = tpu.memref_slice %arg5[%multiple_of3A_128] : memref<655360xi32, #tpu.memory_space<hbm>> -> memref<80xi32, #tpu.memory_space<hbm>>
      %dma_start3A_132 = tpu.memref_slice %arg5[%multiple_of3A_128] : memref<655360xi32, #tpu.memory_space<hbm>> -> memref<80xi32, #tpu.memory_space<hbm>>
      tpu.enqueue_dma source(%dma_start3A_132 : memref<80xi32, #tpu.memory_space<hbm>>) target(%arg11 : memref<80xi32, #tpu.memory_space<vmem>>) target_semaphore(%arg18 : memref<!tpu.dma_semaphore, #tpu.memory_space<semaphore_mem>>)
      %dma_wait3A_133 = arith.constant 0 : i32
      %dma_wait3A_134 = tpu.memref_slice %arg4[%dma_wait3A_133] : memref<655360xi32, #tpu.memory_space<hbm>> -> memref<80xi32, #tpu.memory_space<hbm>>
      %dma_wait3A_135 = arith.constant 0 : i32
      %dma_wait3A_136 = tpu.memref_slice %arg4[%dma_wait3A_135] : memref<655360xi32, #tpu.memory_space<hbm>> -> memref<80xi32, #tpu.memory_space<hbm>>
      tpu.wait_dma2 semaphore(%arg20 : memref<!tpu.dma_semaphore, #tpu.memory_space<semaphore_mem>>) src(%dma_wait3A_136 : memref<80xi32, #tpu.memory_space<hbm>>) dst(%arg9 : memref<80xi32, #tpu.memory_space<vmem>>)
      %dma_wait3A_137 = arith.constant 0 : i32
      %dma_wait3A_138 = tpu.memref_slice %arg5[%dma_wait3A_137] : memref<655360xi32, #tpu.memory_space<hbm>> -> memref<80xi32, #tpu.memory_space<hbm>>
      %dma_wait3A_139 = arith.constant 0 : i32
      %dma_wait3A_140 = tpu.memref_slice %arg5[%dma_wait3A_139] : memref<655360xi32, #tpu.memory_space<hbm>> -> memref<80xi32, #tpu.memory_space<hbm>>
      tpu.wait_dma2 semaphore(%arg20 : memref<!tpu.dma_semaphore, #tpu.memory_space<semaphore_mem>>) src(%dma_wait3A_140 : memref<80xi32, #tpu.memory_space<hbm>>) dst(%arg13 : memref<80xi32, #tpu.memory_space<vmem>>)
      %dma_start3A_141 = arith.constant 0 : i32
      %dma_start3A_142 = arith.constant 0 : i32
      %dma_start3A_143 = tpu.memref_slice %arg15[%dma_start3A_141, %dma_start3A_142] : memref<80x128xf32, #tpu.memory_space<vmem>> -> memref<40x128xf32, #tpu.memory_space<vmem>>
      %dma_start3A_144 = arith.constant 0 : i32
      %dma_start3A_145 = tpu.memref_slice %arg9[%dma_start3A_144] : memref<80xi32, #tpu.memory_space<vmem>> -> memref<40xi32, #tpu.memory_space<vmem>>
      %dma_start3A_146 = arith.constant 0 : i32
      %dma_start3A_147 = arith.constant 0 : i32
      %dma_start3A_148 = tpu.memref_slice %arg2[%dma_start3A_146, %dma_start3A_147] : memref<10000x128xf32, #tpu.memory_space<hbm>> -> memref<10000x128xf32, #tpu.memory_space<hbm>>
      tpu.enqueue_indirect_dma source(%dma_start3A_148 : memref<10000x128xf32, #tpu.memory_space<hbm>>) target(%dma_start3A_143 : memref<40x128xf32, #tpu.memory_space<vmem>>) offsets(%dma_start3A_145 : memref<40xi32, #tpu.memory_space<vmem>>) semaphore(%arg22 : memref<!tpu.dma_semaphore, #tpu.memory_space<semaphore_mem>>)
      %dma_start3A_149 = arith.constant 40 : i32
      %dma_start3A_150 = arith.constant 0 : i32
      %dma_start3A_151 = tpu.memref_slice %arg15[%dma_start3A_149, %dma_start3A_150] : memref<80x128xf32, #tpu.memory_space<vmem>> -> memref<40x128xf32, #tpu.memory_space<vmem>>
      %dma_start3A_152 = arith.constant 40 : i32
      %dma_start3A_153 = tpu.memref_slice %arg9[%dma_start3A_152] : memref<80xi32, #tpu.memory_space<vmem>> -> memref<40xi32, #tpu.memory_space<vmem>>
      %dma_start3A_154 = arith.constant 0 : i32
      %dma_start3A_155 = arith.constant 0 : i32
      %dma_start3A_156 = tpu.memref_slice %arg2[%dma_start3A_154, %dma_start3A_155] : memref<10000x128xf32, #tpu.memory_space<hbm>> -> memref<10000x128xf32, #tpu.memory_space<hbm>>
      tpu.enqueue_indirect_dma source(%dma_start3A_156 : memref<10000x128xf32, #tpu.memory_space<hbm>>) target(%dma_start3A_151 : memref<40x128xf32, #tpu.memory_space<vmem>>) offsets(%dma_start3A_153 : memref<40xi32, #tpu.memory_space<vmem>>) semaphore(%arg22 : memref<!tpu.dma_semaphore, #tpu.memory_space<semaphore_mem>>)
      %dma_wait3A_157 = arith.constant 0 : i32
      %dma_wait3A_158 = arith.constant 0 : i32
      %dma_wait3A_159 = tpu.memref_slice %arg2[%dma_wait3A_157, %dma_wait3A_158] : memref<10000x128xf32, #tpu.memory_space<hbm>> -> memref<10000x128xf32, #tpu.memory_space<hbm>>
      tpu.wait_indirect_dma semaphore(%arg23 : memref<!tpu.dma_semaphore, #tpu.memory_space<semaphore_mem>>) src(%dma_wait3A_159 : memref<10000x128xf32, #tpu.memory_space<hbm>>) dst(%arg16 : memref<80x128xf32, #tpu.memory_space<vmem>>)
      "tpu.region"() ({
        %run_scoped3A = tpu.sem_alloc : memref<!tpu.dma_semaphore, #tpu.memory_space<semaphore_mem>>
        %dma_start3A_244 = arith.constant 0 : i32
        %dma_start3A_245 = arith.constant 0 : i32
        %dma_start3A_246 = tpu.memref_slice %arg17[%dma_start3A_244, %dma_start3A_245] : memref<10240x128xf32, #tpu.memory_space<vmem_shared>> -> memref<10240x128xf32, #tpu.memory_space<vmem_shared>>
        tpu.enqueue_indirect_dma source(%arg16 : memref<80x128xf32, #tpu.memory_space<vmem>>) target(%dma_start3A_246 : memref<10240x128xf32, #tpu.memory_space<vmem_shared>>) offsets(%arg12 : memref<80xi32, #tpu.memory_space<vmem>>) semaphore(%run_scoped3A : memref<!tpu.dma_semaphore, #tpu.memory_space<semaphore_mem>>) {add = true}
        %dma_wait3A_247 = arith.constant 0 : i32
        %dma_wait3A_248 = arith.constant 0 : i32
        %dma_wait3A_249 = tpu.memref_slice %arg17[%dma_wait3A_247, %dma_wait3A_248] : memref<10240x128xf32, #tpu.memory_space<vmem_shared>> -> memref<10240x128xf32, #tpu.memory_space<vmem_shared>>
        tpu.wait_indirect_dma semaphore(%run_scoped3A : memref<!tpu.dma_semaphore, #tpu.memory_space<semaphore_mem>>) src(%arg16 : memref<80x128xf32, #tpu.memory_space<vmem>>) dst(%dma_wait3A_249 : memref<10240x128xf32, #tpu.memory_space<vmem_shared>>)
        tpu.yield
      }) : () -> ()
      %add3A_160 = arith.constant 5 : i32
      %add3A_161 = arith.addi %mul3A_95, %add3A_160 : i32
      %mul3A_162 = arith.constant 80 : i32
      %mul3A_163 = arith.muli %add3A_161, %mul3A_162 : i32
      %add3A_164 = arith.addi %mul3A_2, %mul3A_163 : i32
      %multiple_of3A_165 = tpu.assume_multiple %add3A_164, 8 : i32
      %dma_start3A_166 = tpu.memref_slice %arg4[%multiple_of3A_165] : memref<655360xi32, #tpu.memory_space<hbm>> -> memref<80xi32, #tpu.memory_space<hbm>>
      %dma_start3A_167 = tpu.memref_slice %arg4[%multiple_of3A_165] : memref<655360xi32, #tpu.memory_space<hbm>> -> memref<80xi32, #tpu.memory_space<hbm>>
      tpu.enqueue_dma source(%dma_start3A_167 : memref<80xi32, #tpu.memory_space<hbm>>) target(%arg8 : memref<80xi32, #tpu.memory_space<vmem>>) target_semaphore(%arg19 : memref<!tpu.dma_semaphore, #tpu.memory_space<semaphore_mem>>)
      %dma_start3A_168 = tpu.memref_slice %arg5[%multiple_of3A_165] : memref<655360xi32, #tpu.memory_space<hbm>> -> memref<80xi32, #tpu.memory_space<hbm>>
      %dma_start3A_169 = tpu.memref_slice %arg5[%multiple_of3A_165] : memref<655360xi32, #tpu.memory_space<hbm>> -> memref<80xi32, #tpu.memory_space<hbm>>
      tpu.enqueue_dma source(%dma_start3A_169 : memref<80xi32, #tpu.memory_space<hbm>>) target(%arg12 : memref<80xi32, #tpu.memory_space<vmem>>) target_semaphore(%arg19 : memref<!tpu.dma_semaphore, #tpu.memory_space<semaphore_mem>>)
      %dma_wait3A_170 = arith.constant 0 : i32
      %dma_wait3A_171 = tpu.memref_slice %arg4[%dma_wait3A_170] : memref<655360xi32, #tpu.memory_space<hbm>> -> memref<80xi32, #tpu.memory_space<hbm>>
      %dma_wait3A_172 = arith.constant 0 : i32
      %dma_wait3A_173 = tpu.memref_slice %arg4[%dma_wait3A_172] : memref<655360xi32, #tpu.memory_space<hbm>> -> memref<80xi32, #tpu.memory_space<hbm>>
      tpu.wait_dma2 semaphore(%arg21 : memref<!tpu.dma_semaphore, #tpu.memory_space<semaphore_mem>>) src(%dma_wait3A_173 : memref<80xi32, #tpu.memory_space<hbm>>) dst(%arg10 : memref<80xi32, #tpu.memory_space<vmem>>)
      %dma_wait3A_174 = arith.constant 0 : i32
      %dma_wait3A_175 = tpu.memref_slice %arg5[%dma_wait3A_174] : memref<655360xi32, #tpu.memory_space<hbm>> -> memref<80xi32, #tpu.memory_space<hbm>>
      %dma_wait3A_176 = arith.constant 0 : i32
      %dma_wait3A_177 = tpu.memref_slice %arg5[%dma_wait3A_176] : memref<655360xi32, #tpu.memory_space<hbm>> -> memref<80xi32, #tpu.memory_space<hbm>>
      tpu.wait_dma2 semaphore(%arg21 : memref<!tpu.dma_semaphore, #tpu.memory_space<semaphore_mem>>) src(%dma_wait3A_177 : memref<80xi32, #tpu.memory_space<hbm>>) dst(%arg14 : memref<80xi32, #tpu.memory_space<vmem>>)
      %dma_start3A_178 = arith.constant 0 : i32
      %dma_start3A_179 = arith.constant 0 : i32
      %dma_start3A_180 = tpu.memref_slice %arg16[%dma_start3A_178, %dma_start3A_179] : memref<80x128xf32, #tpu.memory_space<vmem>> -> memref<40x128xf32, #tpu.memory_space<vmem>>
      %dma_start3A_181 = arith.constant 0 : i32
      %dma_start3A_182 = tpu.memref_slice %arg10[%dma_start3A_181] : memref<80xi32, #tpu.memory_space<vmem>> -> memref<40xi32, #tpu.memory_space<vmem>>
      %dma_start3A_183 = arith.constant 0 : i32
      %dma_start3A_184 = arith.constant 0 : i32
      %dma_start3A_185 = tpu.memref_slice %arg2[%dma_start3A_183, %dma_start3A_184] : memref<10000x128xf32, #tpu.memory_space<hbm>> -> memref<10000x128xf32, #tpu.memory_space<hbm>>
      tpu.enqueue_indirect_dma source(%dma_start3A_185 : memref<10000x128xf32, #tpu.memory_space<hbm>>) target(%dma_start3A_180 : memref<40x128xf32, #tpu.memory_space<vmem>>) offsets(%dma_start3A_182 : memref<40xi32, #tpu.memory_space<vmem>>) semaphore(%arg23 : memref<!tpu.dma_semaphore, #tpu.memory_space<semaphore_mem>>)
      %dma_start3A_186 = arith.constant 40 : i32
      %dma_start3A_187 = arith.constant 0 : i32
      %dma_start3A_188 = tpu.memref_slice %arg16[%dma_start3A_186, %dma_start3A_187] : memref<80x128xf32, #tpu.memory_space<vmem>> -> memref<40x128xf32, #tpu.memory_space<vmem>>
      %dma_start3A_189 = arith.constant 40 : i32
      %dma_start3A_190 = tpu.memref_slice %arg10[%dma_start3A_189] : memref<80xi32, #tpu.memory_space<vmem>> -> memref<40xi32, #tpu.memory_space<vmem>>
      %dma_start3A_191 = arith.constant 0 : i32
      %dma_start3A_192 = arith.constant 0 : i32
      %dma_start3A_193 = tpu.memref_slice %arg2[%dma_start3A_191, %dma_start3A_192] : memref<10000x128xf32, #tpu.memory_space<hbm>> -> memref<10000x128xf32, #tpu.memory_space<hbm>>
      tpu.enqueue_indirect_dma source(%dma_start3A_193 : memref<10000x128xf32, #tpu.memory_space<hbm>>) target(%dma_start3A_188 : memref<40x128xf32, #tpu.memory_space<vmem>>) offsets(%dma_start3A_190 : memref<40xi32, #tpu.memory_space<vmem>>) semaphore(%arg23 : memref<!tpu.dma_semaphore, #tpu.memory_space<semaphore_mem>>)
      %dma_wait3A_194 = arith.constant 0 : i32
      %dma_wait3A_195 = arith.constant 0 : i32
      %dma_wait3A_196 = tpu.memref_slice %arg2[%dma_wait3A_194, %dma_wait3A_195] : memref<10000x128xf32, #tpu.memory_space<hbm>> -> memref<10000x128xf32, #tpu.memory_space<hbm>>
      tpu.wait_indirect_dma semaphore(%arg22 : memref<!tpu.dma_semaphore, #tpu.memory_space<semaphore_mem>>) src(%dma_wait3A_196 : memref<10000x128xf32, #tpu.memory_space<hbm>>) dst(%arg15 : memref<80x128xf32, #tpu.memory_space<vmem>>)
      "tpu.region"() ({
        %run_scoped3A = tpu.sem_alloc : memref<!tpu.dma_semaphore, #tpu.memory_space<semaphore_mem>>
        %dma_start3A_244 = arith.constant 0 : i32
        %dma_start3A_245 = arith.constant 0 : i32
        %dma_start3A_246 = tpu.memref_slice %arg17[%dma_start3A_244, %dma_start3A_245] : memref<10240x128xf32, #tpu.memory_space<vmem_shared>> -> memref<10240x128xf32, #tpu.memory_space<vmem_shared>>
        tpu.enqueue_indirect_dma source(%arg15 : memref<80x128xf32, #tpu.memory_space<vmem>>) target(%dma_start3A_246 : memref<10240x128xf32, #tpu.memory_space<vmem_shared>>) offsets(%arg13 : memref<80xi32, #tpu.memory_space<vmem>>) semaphore(%run_scoped3A : memref<!tpu.dma_semaphore, #tpu.memory_space<semaphore_mem>>) {add = true}
        %dma_wait3A_247 = arith.constant 0 : i32
        %dma_wait3A_248 = arith.constant 0 : i32
        %dma_wait3A_249 = tpu.memref_slice %arg17[%dma_wait3A_247, %dma_wait3A_248] : memref<10240x128xf32, #tpu.memory_space<vmem_shared>> -> memref<10240x128xf32, #tpu.memory_space<vmem_shared>>
        tpu.wait_indirect_dma semaphore(%run_scoped3A : memref<!tpu.dma_semaphore, #tpu.memory_space<semaphore_mem>>) src(%arg15 : memref<80x128xf32, #tpu.memory_space<vmem>>) dst(%dma_wait3A_249 : memref<10240x128xf32, #tpu.memory_space<vmem_shared>>)
        tpu.yield
      }) : () -> ()
      %add3A_197 = arith.constant 6 : i32
      %add3A_198 = arith.addi %mul3A_95, %add3A_197 : i32
      %mul3A_199 = arith.constant 80 : i32
      %mul3A_200 = arith.muli %add3A_198, %mul3A_199 : i32
      %add3A_201 = arith.addi %mul3A_2, %mul3A_200 : i32
      %multiple_of3A_202 = tpu.assume_multiple %add3A_201, 8 : i32
      %dma_start3A_203 = tpu.memref_slice %arg4[%multiple_of3A_202] : memref<655360xi32, #tpu.memory_space<hbm>> -> memref<80xi32, #tpu.memory_space<hbm>>
      %dma_start3A_204 = tpu.memref_slice %arg4[%multiple_of3A_202] : memref<655360xi32, #tpu.memory_space<hbm>> -> memref<80xi32, #tpu.memory_space<hbm>>
      tpu.enqueue_dma source(%dma_start3A_204 : memref<80xi32, #tpu.memory_space<hbm>>) target(%arg9 : memref<80xi32, #tpu.memory_space<vmem>>) target_semaphore(%arg20 : memref<!tpu.dma_semaphore, #tpu.memory_space<semaphore_mem>>)
      %dma_start3A_205 = tpu.memref_slice %arg5[%multiple_of3A_202] : memref<655360xi32, #tpu.memory_space<hbm>> -> memref<80xi32, #tpu.memory_space<hbm>>
      %dma_start3A_206 = tpu.memref_slice %arg5[%multiple_of3A_202] : memref<655360xi32, #tpu.memory_space<hbm>> -> memref<80xi32, #tpu.memory_space<hbm>>
      tpu.enqueue_dma source(%dma_start3A_206 : memref<80xi32, #tpu.memory_space<hbm>>) target(%arg13 : memref<80xi32, #tpu.memory_space<vmem>>) target_semaphore(%arg20 : memref<!tpu.dma_semaphore, #tpu.memory_space<semaphore_mem>>)
      %dma_wait3A_207 = arith.constant 0 : i32
      %dma_wait3A_208 = tpu.memref_slice %arg4[%dma_wait3A_207] : memref<655360xi32, #tpu.memory_space<hbm>> -> memref<80xi32, #tpu.memory_space<hbm>>
      %dma_wait3A_209 = arith.constant 0 : i32
      %dma_wait3A_210 = tpu.memref_slice %arg4[%dma_wait3A_209] : memref<655360xi32, #tpu.memory_space<hbm>> -> memref<80xi32, #tpu.memory_space<hbm>>
      tpu.wait_dma2 semaphore(%arg18 : memref<!tpu.dma_semaphore, #tpu.memory_space<semaphore_mem>>) src(%dma_wait3A_210 : memref<80xi32, #tpu.memory_space<hbm>>) dst(%arg7 : memref<80xi32, #tpu.memory_space<vmem>>)
      %dma_wait3A_211 = arith.constant 0 : i32
      %dma_wait3A_212 = tpu.memref_slice %arg5[%dma_wait3A_211] : memref<655360xi32, #tpu.memory_space<hbm>> -> memref<80xi32, #tpu.memory_space<hbm>>
      %dma_wait3A_213 = arith.constant 0 : i32
      %dma_wait3A_214 = tpu.memref_slice %arg5[%dma_wait3A_213] : memref<655360xi32, #tpu.memory_space<hbm>> -> memref<80xi32, #tpu.memory_space<hbm>>
      tpu.wait_dma2 semaphore(%arg18 : memref<!tpu.dma_semaphore, #tpu.memory_space<semaphore_mem>>) src(%dma_wait3A_214 : memref<80xi32, #tpu.memory_space<hbm>>) dst(%arg11 : memref<80xi32, #tpu.memory_space<vmem>>)
      %dma_start3A_215 = arith.constant 0 : i32
      %dma_start3A_216 = arith.constant 0 : i32
      %dma_start3A_217 = tpu.memref_slice %arg15[%dma_start3A_215, %dma_start3A_216] : memref<80x128xf32, #tpu.memory_space<vmem>> -> memref<40x128xf32, #tpu.memory_space<vmem>>
      %dma_start3A_218 = arith.constant 0 : i32
      %dma_start3A_219 = tpu.memref_slice %arg7[%dma_start3A_218] : memref<80xi32, #tpu.memory_space<vmem>> -> memref<40xi32, #tpu.memory_space<vmem>>
      %dma_start3A_220 = arith.constant 0 : i32
      %dma_start3A_221 = arith.constant 0 : i32
      %dma_start3A_222 = tpu.memref_slice %arg2[%dma_start3A_220, %dma_start3A_221] : memref<10000x128xf32, #tpu.memory_space<hbm>> -> memref<10000x128xf32, #tpu.memory_space<hbm>>
      tpu.enqueue_indirect_dma source(%dma_start3A_222 : memref<10000x128xf32, #tpu.memory_space<hbm>>) target(%dma_start3A_217 : memref<40x128xf32, #tpu.memory_space<vmem>>) offsets(%dma_start3A_219 : memref<40xi32, #tpu.memory_space<vmem>>) semaphore(%arg22 : memref<!tpu.dma_semaphore, #tpu.memory_space<semaphore_mem>>)
      %dma_start3A_223 = arith.constant 40 : i32
      %dma_start3A_224 = arith.constant 0 : i32
      %dma_start3A_225 = tpu.memref_slice %arg15[%dma_start3A_223, %dma_start3A_224] : memref<80x128xf32, #tpu.memory_space<vmem>> -> memref<40x128xf32, #tpu.memory_space<vmem>>
      %dma_start3A_226 = arith.constant 40 : i32
      %dma_start3A_227 = tpu.memref_slice %arg7[%dma_start3A_226] : memref<80xi32, #tpu.memory_space<vmem>> -> memref<40xi32, #tpu.memory_space<vmem>>
      %dma_start3A_228 = arith.constant 0 : i32
      %dma_start3A_229 = arith.constant 0 : i32
      %dma_start3A_230 = tpu.memref_slice %arg2[%dma_start3A_228, %dma_start3A_229] : memref<10000x128xf32, #tpu.memory_space<hbm>> -> memref<10000x128xf32, #tpu.memory_space<hbm>>
      tpu.enqueue_indirect_dma source(%dma_start3A_230 : memref<10000x128xf32, #tpu.memory_space<hbm>>) target(%dma_start3A_225 : memref<40x128xf32, #tpu.memory_space<vmem>>) offsets(%dma_start3A_227 : memref<40xi32, #tpu.memory_space<vmem>>) semaphore(%arg22 : memref<!tpu.dma_semaphore, #tpu.memory_space<semaphore_mem>>)
      %dma_wait3A_231 = arith.constant 0 : i32
      %dma_wait3A_232 = arith.constant 0 : i32
      %dma_wait3A_233 = tpu.memref_slice %arg2[%dma_wait3A_231, %dma_wait3A_232] : memref<10000x128xf32, #tpu.memory_space<hbm>> -> memref<10000x128xf32, #tpu.memory_space<hbm>>
      tpu.wait_indirect_dma semaphore(%arg23 : memref<!tpu.dma_semaphore, #tpu.memory_space<semaphore_mem>>) src(%dma_wait3A_233 : memref<10000x128xf32, #tpu.memory_space<hbm>>) dst(%arg16 : memref<80x128xf32, #tpu.memory_space<vmem>>)
      "tpu.region"() ({
        %run_scoped3A = tpu.sem_alloc : memref<!tpu.dma_semaphore, #tpu.memory_space<semaphore_mem>>
        %dma_start3A_244 = arith.constant 0 : i32
        %dma_start3A_245 = arith.constant 0 : i32
        %dma_start3A_246 = tpu.memref_slice %arg17[%dma_start3A_244, %dma_start3A_245] : memref<10240x128xf32, #tpu.memory_space<vmem_shared>> -> memref<10240x128xf32, #tpu.memory_space<vmem_shared>>
        tpu.enqueue_indirect_dma source(%arg16 : memref<80x128xf32, #tpu.memory_space<vmem>>) target(%dma_start3A_246 : memref<10240x128xf32, #tpu.memory_space<vmem_shared>>) offsets(%arg14 : memref<80xi32, #tpu.memory_space<vmem>>) semaphore(%run_scoped3A : memref<!tpu.dma_semaphore, #tpu.memory_space<semaphore_mem>>) {add = true}
        %dma_wait3A_247 = arith.constant 0 : i32
        %dma_wait3A_248 = arith.constant 0 : i32
        %dma_wait3A_249 = tpu.memref_slice %arg17[%dma_wait3A_247, %dma_wait3A_248] : memref<10240x128xf32, #tpu.memory_space<vmem_shared>> -> memref<10240x128xf32, #tpu.memory_space<vmem_shared>>
        tpu.wait_indirect_dma semaphore(%run_scoped3A : memref<!tpu.dma_semaphore, #tpu.memory_space<semaphore_mem>>) src(%arg16 : memref<80x128xf32, #tpu.memory_space<vmem>>) dst(%dma_wait3A_249 : memref<10240x128xf32, #tpu.memory_space<vmem_shared>>)
        tpu.yield
      }) : () -> ()
      %add3A_234 = arith.constant 7 : i32
      %add3A_235 = arith.addi %mul3A_95, %add3A_234 : i32
      %mul3A_236 = arith.constant 80 : i32
      %mul3A_237 = arith.muli %add3A_235, %mul3A_236 : i32
      %add3A_238 = arith.addi %mul3A_2, %mul3A_237 : i32
      %multiple_of3A_239 = tpu.assume_multiple %add3A_238, 8 : i32
      %dma_start3A_240 = tpu.memref_slice %arg4[%multiple_of3A_239] : memref<655360xi32, #tpu.memory_space<hbm>> -> memref<80xi32, #tpu.memory_space<hbm>>
      %dma_start3A_241 = tpu.memref_slice %arg4[%multiple_of3A_239] : memref<655360xi32, #tpu.memory_space<hbm>> -> memref<80xi32, #tpu.memory_space<hbm>>
      tpu.enqueue_dma source(%dma_start3A_241 : memref<80xi32, #tpu.memory_space<hbm>>) target(%arg10 : memref<80xi32, #tpu.memory_space<vmem>>) target_semaphore(%arg21 : memref<!tpu.dma_semaphore, #tpu.memory_space<semaphore_mem>>)
      %dma_start3A_242 = tpu.memref_slice %arg5[%multiple_of3A_239] : memref<655360xi32, #tpu.memory_space<hbm>> -> memref<80xi32, #tpu.memory_space<hbm>>
      %dma_start3A_243 = tpu.memref_slice %arg5[%multiple_of3A_239] : memref<655360xi32, #tpu.memory_space<hbm>> -> memref<80xi32, #tpu.memory_space<hbm>>
      tpu.enqueue_dma source(%dma_start3A_243 : memref<80xi32, #tpu.memory_space<hbm>>) target(%arg14 : memref<80xi32, #tpu.memory_space<vmem>>) target_semaphore(%arg21 : memref<!tpu.dma_semaphore, #tpu.memory_space<semaphore_mem>>)
    }
    %scan3A_60 = arith.constant 63 : i32
    %dma_wait3A_61 = arith.constant 0 : i32
    %dma_wait3A_62 = arith.constant 0 : i32
    %dma_wait3A_63 = tpu.memref_slice %arg2[%dma_wait3A_61, %dma_wait3A_62] : memref<10000x128xf32, #tpu.memory_space<hbm>> -> memref<10000x128xf32, #tpu.memory_space<hbm>>
    tpu.wait_indirect_dma semaphore(%arg22 : memref<!tpu.dma_semaphore, #tpu.memory_space<semaphore_mem>>) src(%dma_wait3A_63 : memref<10000x128xf32, #tpu.memory_space<hbm>>) dst(%arg15 : memref<80x128xf32, #tpu.memory_space<vmem>>)
    %dma_wait3A_64 = arith.constant 0 : i32
    %dma_wait3A_65 = tpu.memref_slice %arg4[%dma_wait3A_64] : memref<655360xi32, #tpu.memory_space<hbm>> -> memref<80xi32, #tpu.memory_space<hbm>>
    %dma_wait3A_66 = arith.constant 0 : i32
    %dma_wait3A_67 = tpu.memref_slice %arg4[%dma_wait3A_66] : memref<655360xi32, #tpu.memory_space<hbm>> -> memref<80xi32, #tpu.memory_space<hbm>>
    tpu.wait_dma2 semaphore(%arg19 : memref<!tpu.dma_semaphore, #tpu.memory_space<semaphore_mem>>) src(%dma_wait3A_67 : memref<80xi32, #tpu.memory_space<hbm>>) dst(%arg8 : memref<80xi32, #tpu.memory_space<vmem>>)
    %dma_wait3A_68 = arith.constant 0 : i32
    %dma_wait3A_69 = tpu.memref_slice %arg5[%dma_wait3A_68] : memref<655360xi32, #tpu.memory_space<hbm>> -> memref<80xi32, #tpu.memory_space<hbm>>
    %dma_wait3A_70 = arith.constant 0 : i32
    %dma_wait3A_71 = tpu.memref_slice %arg5[%dma_wait3A_70] : memref<655360xi32, #tpu.memory_space<hbm>> -> memref<80xi32, #tpu.memory_space<hbm>>
    tpu.wait_dma2 semaphore(%arg19 : memref<!tpu.dma_semaphore, #tpu.memory_space<semaphore_mem>>) src(%dma_wait3A_71 : memref<80xi32, #tpu.memory_space<hbm>>) dst(%arg12 : memref<80xi32, #tpu.memory_space<vmem>>)
    %dma_wait3A_72 = arith.constant 0 : i32
    %dma_wait3A_73 = tpu.memref_slice %arg4[%dma_wait3A_72] : memref<655360xi32, #tpu.memory_space<hbm>> -> memref<80xi32, #tpu.memory_space<hbm>>
    %dma_wait3A_74 = arith.constant 0 : i32
    %dma_wait3A_75 = tpu.memref_slice %arg4[%dma_wait3A_74] : memref<655360xi32, #tpu.memory_space<hbm>> -> memref<80xi32, #tpu.memory_space<hbm>>
    tpu.wait_dma2 semaphore(%arg20 : memref<!tpu.dma_semaphore, #tpu.memory_space<semaphore_mem>>) src(%dma_wait3A_75 : memref<80xi32, #tpu.memory_space<hbm>>) dst(%arg9 : memref<80xi32, #tpu.memory_space<vmem>>)
    %dma_wait3A_76 = arith.constant 0 : i32
    %dma_wait3A_77 = tpu.memref_slice %arg5[%dma_wait3A_76] : memref<655360xi32, #tpu.memory_space<hbm>> -> memref<80xi32, #tpu.memory_space<hbm>>
    %dma_wait3A_78 = arith.constant 0 : i32
    %dma_wait3A_79 = tpu.memref_slice %arg5[%dma_wait3A_78] : memref<655360xi32, #tpu.memory_space<hbm>> -> memref<80xi32, #tpu.memory_space<hbm>>
    tpu.wait_dma2 semaphore(%arg20 : memref<!tpu.dma_semaphore, #tpu.memory_space<semaphore_mem>>) src(%dma_wait3A_79 : memref<80xi32, #tpu.memory_space<hbm>>) dst(%arg13 : memref<80xi32, #tpu.memory_space<vmem>>)
    %dma_wait3A_80 = arith.constant 0 : i32
    %dma_wait3A_81 = tpu.memref_slice %arg4[%dma_wait3A_80] : memref<655360xi32, #tpu.memory_space<hbm>> -> memref<80xi32, #tpu.memory_space<hbm>>
    %dma_wait3A_82 = arith.constant 0 : i32
    %dma_wait3A_83 = tpu.memref_slice %arg4[%dma_wait3A_82] : memref<655360xi32, #tpu.memory_space<hbm>> -> memref<80xi32, #tpu.memory_space<hbm>>
    tpu.wait_dma2 semaphore(%arg21 : memref<!tpu.dma_semaphore, #tpu.memory_space<semaphore_mem>>) src(%dma_wait3A_83 : memref<80xi32, #tpu.memory_space<hbm>>) dst(%arg10 : memref<80xi32, #tpu.memory_space<vmem>>)
    %dma_wait3A_84 = arith.constant 0 : i32
    %dma_wait3A_85 = tpu.memref_slice %arg5[%dma_wait3A_84] : memref<655360xi32, #tpu.memory_space<hbm>> -> memref<80xi32, #tpu.memory_space<hbm>>
    %dma_wait3A_86 = arith.constant 0 : i32
    %dma_wait3A_87 = tpu.memref_slice %arg5[%dma_wait3A_86] : memref<655360xi32, #tpu.memory_space<hbm>> -> memref<80xi32, #tpu.memory_space<hbm>>
    tpu.wait_dma2 semaphore(%arg21 : memref<!tpu.dma_semaphore, #tpu.memory_space<semaphore_mem>>) src(%dma_wait3A_87 : memref<80xi32, #tpu.memory_space<hbm>>) dst(%arg14 : memref<80xi32, #tpu.memory_space<vmem>>)
    %barrier3A_88 = arith.constant 0 : index
    tpu.barrier barrier_id(%barrier3A_88)
    %mul3A_89 = arith.constant 640 : i32
    %mul3A_90 = arith.muli %arg1, %mul3A_89 : i32
    %mul3A_91 = arith.constant 640 : i32
    %mul3A_92 = arith.muli %arg1, %mul3A_91 : i32
    "tpu.region"() ({
      %run_scoped3A = tpu.sem_alloc : memref<!tpu.dma_semaphore, #tpu.memory_space<semaphore_mem>>
      %dma_start3A_93 = arith.constant 0 : i32
      %dma_start3A_94 = tpu.memref_slice %arg6[%arg0, %mul3A_92, %dma_start3A_93] : memref<2x10240x128xf32, #tpu.memory_space<hbm>> -> memref<1x640x128xf32, #tpu.memory_space<hbm>>
      %dma_start3A_95 = tpu.memref_squeeze %dma_start3A_94 : memref<1x640x128xf32, #tpu.memory_space<hbm>> -> memref<640x128xf32, #tpu.memory_space<hbm>>
      %dma_start3A_96 = arith.constant 0 : i32
      %dma_start3A_97 = tpu.memref_slice %arg17[%mul3A_90, %dma_start3A_96] : memref<10240x128xf32, #tpu.memory_space<vmem_shared>> -> memref<640x128xf32, #tpu.memory_space<vmem_shared>>
      tpu.enqueue_dma source(%dma_start3A_97 : memref<640x128xf32, #tpu.memory_space<vmem_shared>>) target(%dma_start3A_95 : memref<640x128xf32, #tpu.memory_space<hbm>>) target_semaphore(%run_scoped3A : memref<!tpu.dma_semaphore, #tpu.memory_space<semaphore_mem>>)
      %dma_wait3A_98 = arith.constant 0 : i32
      %dma_wait3A_99 = tpu.memref_slice %arg6[%arg0, %mul3A_92, %dma_wait3A_98] : memref<2x10240x128xf32, #tpu.memory_space<hbm>> -> memref<1x640x128xf32, #tpu.memory_space<hbm>>
      %dma_wait3A_100 = tpu.memref_squeeze %dma_wait3A_99 : memref<1x640x128xf32, #tpu.memory_space<hbm>> -> memref<640x128xf32, #tpu.memory_space<hbm>>
      %dma_wait3A_101 = arith.constant 0 : i32
      %dma_wait3A_102 = tpu.memref_slice %arg17[%mul3A_90, %dma_wait3A_101] : memref<10240x128xf32, #tpu.memory_space<vmem_shared>> -> memref<640x128xf32, #tpu.memory_space<vmem_shared>>
      tpu.wait_dma2 semaphore(%run_scoped3A : memref<!tpu.dma_semaphore, #tpu.memory_space<semaphore_mem>>) src(%dma_wait3A_102 : memref<640x128xf32, #tpu.memory_space<vmem_shared>>) dst(%dma_wait3A_100 : memref<640x128xf32, #tpu.memory_space<hbm>>)
      tpu.yield
    }) : () -> ()
    return
  }
}

module attributes {stable_mosaic.version = 14 : i64} {
  func.func @body(%arg0: i32, %arg1: memref<640x128xf32, #tpu.memory_space<vmem>>, %arg2: memref<640x128xf32, #tpu.memory_space<vmem>>, %arg3: memref<640x128xf32, #tpu.memory_space<vmem>>, %arg4: memref<1x1x640xi32, #tpu.memory_space<vmem>>, %arg5: memref<128x128xf32, #tpu.memory_space<vmem>>, %arg6: memref<1x128xf32, #tpu.memory_space<vmem>>, %arg7: memref<128x128xf32, #tpu.memory_space<vmem>>, %arg8: memref<1x128xf32, #tpu.memory_space<vmem>>, %arg9: memref<64x128xf32, #tpu.memory_space<vmem>>, %arg10: memref<64x128xf32, #tpu.memory_space<vmem>>, %arg11: memref<64x128xf32, #tpu.memory_space<vmem>>) attributes {dimension_semantics = [#tpu.dimension_semantics<arbitrary>], iteration_bounds = array<i64: 16>, scalar_prefetch = 0 : i64, scratch_operands = 2 : i64, tpu.core_type = #tpu.core_type<tc>, window_params = [{transform_indices = @transform_0, window_bounds = array<i64: 640, 128>}, {transform_indices = @transform_1, window_bounds = array<i64: 640, 128>}, {transform_indices = @transform_2, window_bounds = array<i64: 640, 128>}, {transform_indices = @transform_3, window_bounds = array<i64: 1, 1, 640>}, {pipeline_mode = #tpu.pipeline_mode<synchronous>, transform_indices = @transform_4, window_bounds = array<i64: 128, 128>}, {pipeline_mode = #tpu.pipeline_mode<synchronous>, transform_indices = @transform_5, window_bounds = array<i64: 1, 128>}, {pipeline_mode = #tpu.pipeline_mode<synchronous>, transform_indices = @transform_6, window_bounds = array<i64: 128, 128>}, {pipeline_mode = #tpu.pipeline_mode<synchronous>, transform_indices = @transform_7, window_bounds = array<i64: 1, 128>}, {pipeline_mode = #tpu.pipeline_mode<synchronous>, transform_indices = @transform_8, window_bounds = array<i64: 64, 128>}]} {
    %eq3A = arith.constant 0 : i32
    %eq3A_0 = arith.cmpi eq, %arg0, %eq3A : i32
    %convert_element_type3A = arith.extui %eq3A_0 : i1 to i32
    %cond3A = arith.constant 0 : i32
    %cond3A_1 = arith.cmpi ne, %convert_element_type3A, %cond3A : i32
    scf.if %cond3A_1 {
      %broadcast_in_dim3A_67 = arith.constant 0.000000e+00 : f32
      %broadcast_in_dim3A_68 = vector.broadcast %broadcast_in_dim3A_67 : f32 to vector<64x128xf32>
      %swap3A_69 = arith.constant 0 : index
      %swap3A_70 = arith.constant 0 : index
      %swap3A_71 = vector.load %arg10[%swap3A_69, %swap3A_70] : memref<64x128xf32, #tpu.memory_space<vmem>>, vector<64x128xf32>
      tpu.vector_store %arg10[%swap3A_69, %swap3A_70], %broadcast_in_dim3A_68 {strides = array<i32>} : memref<64x128xf32, #tpu.memory_space<vmem>>, vector<64x128xf32>,
      %broadcast_in_dim3A_72 = arith.constant 0.000000e+00 : f32
      %broadcast_in_dim3A_73 = vector.broadcast %broadcast_in_dim3A_72 : f32 to vector<64x128xf32>
      %swap3A_74 = arith.constant 0 : index
      %swap3A_75 = arith.constant 0 : index
      %swap3A_76 = vector.load %arg11[%swap3A_74, %swap3A_75] : memref<64x128xf32, #tpu.memory_space<vmem>>, vector<64x128xf32>
      tpu.vector_store %arg11[%swap3A_74, %swap3A_75], %broadcast_in_dim3A_73 {strides = array<i32>} : memref<64x128xf32, #tpu.memory_space<vmem>>, vector<64x128xf32>,
    } else {
    }
    %get3A = arith.constant 0 : index
    %get3A_2 = arith.constant 0 : index
    %get3A_3 = vector.load %arg1[%get3A, %get3A_2] : memref<640x128xf32, #tpu.memory_space<vmem>>, vector<640x128xf32>
    %get3A_4 = arith.constant 0 : index
    %get3A_5 = arith.constant 0 : index
    %get3A_6 = vector.load %arg2[%get3A_4, %get3A_5] : memref<640x128xf32, #tpu.memory_space<vmem>>, vector<640x128xf32>
    %add3A = arith.addf %get3A_3, %get3A_6 : vector<640x128xf32>
    %get3A_7 = arith.constant 0 : index
    %get3A_8 = arith.constant 0 : index
    %get3A_9 = vector.load %arg3[%get3A_7, %get3A_8] : memref<640x128xf32, #tpu.memory_space<vmem>>, vector<640x128xf32>
    %add3A_10 = arith.addf %add3A, %get3A_9 : vector<640x128xf32>
    %get3A_11 = arith.constant 0 : index
    %get3A_12 = arith.constant 0 : index
    %get3A_13 = vector.load %arg5[%get3A_11, %get3A_12] : memref<128x128xf32, #tpu.memory_space<vmem>>, vector<128x128xf32>
    %dot_general3A = arith.constant dense<0.000000e+00> : vector<640x128xf32>
    %dot_general3A_14 = tpu.matmul %add3A_10, %get3A_13, %dot_general3A {dimension_numbers = #tpu.dot_dimension_numbers<[1], [0], [0], [1], [0, 0, 1, 1], [], []>, transpose_lhs_hint = false} : vector<640x128xf32>, vector<128x128xf32>, vector<640x128xf32> -> vector<640x128xf32>
    %get3A_15 = arith.constant 0 : index
    %get3A_16 = arith.constant 0 : index
    %get3A_17 = vector.load %arg6[%get3A_15, %get3A_16] : memref<1x128xf32, #tpu.memory_space<vmem>>, vector<1x128xf32>
    %add3A_18 = vector.broadcast %get3A_17 : vector<1x128xf32> to vector<640x128xf32>
    %add3A_19 = arith.addf %dot_general3A_14, %add3A_18 : vector<640x128xf32>
    %max3A = arith.constant 0.000000e+00 : f32
    %max3A_20 = vector.broadcast %max3A : f32 to vector<640x128xf32>
    %max3A_21 = arith.maximumf %add3A_19, %max3A_20 : vector<640x128xf32>
    %get3A_22 = arith.constant 0 : index
    %get3A_23 = arith.constant 0 : index
    %get3A_24 = vector.load %arg7[%get3A_22, %get3A_23] : memref<128x128xf32, #tpu.memory_space<vmem>>, vector<128x128xf32>
    %dot_general3A_25 = arith.constant dense<0.000000e+00> : vector<640x128xf32>
    %dot_general3A_26 = tpu.matmul %max3A_21, %get3A_24, %dot_general3A_25 {dimension_numbers = #tpu.dot_dimension_numbers<[1], [0], [0], [1], [0, 0, 1, 1], [], []>, transpose_lhs_hint = false} : vector<640x128xf32>, vector<128x128xf32>, vector<640x128xf32> -> vector<640x128xf32>
    %get3A_27 = arith.constant 0 : index
    %get3A_28 = arith.constant 0 : index
    %get3A_29 = vector.load %arg8[%get3A_27, %get3A_28] : memref<1x128xf32, #tpu.memory_space<vmem>>, vector<1x128xf32>
    %add3A_30 = vector.broadcast %get3A_29 : vector<1x128xf32> to vector<640x128xf32>
    %add3A_31 = arith.addf %dot_general3A_26, %add3A_30 : vector<640x128xf32>
    %max3A_32 = arith.constant 0.000000e+00 : f32
    %max3A_33 = vector.broadcast %max3A_32 : f32 to vector<640x128xf32>
    %max3A_34 = arith.maximumf %add3A_31, %max3A_33 : vector<640x128xf32>
    %get3A_35 = arith.constant 0 : index
    %get3A_36 = arith.constant 0 : index
    %get3A_37 = arith.constant 0 : index
    %get3A_38 = vector.load %arg4[%get3A_35, %get3A_36, %get3A_37] : memref<1x1x640xi32, #tpu.memory_space<vmem>>, vector<1x1x640xi32>
    %get3A_39 = vector.shape_cast %get3A_38 : vector<1x1x640xi32> to vector<1x640xi32>
    %iota3A = tpu.iota {dimensions = array<i32: 0>} : vector<64x640xi32>
    %eq3A_40 = vector.broadcast %get3A_39 : vector<1x640xi32> to vector<64x640xi32>
    %eq3A_41 = arith.cmpi eq, %eq3A_40, %iota3A : vector<64x640xi32>
    %convert_element_type3A_42 = arith.extui %eq3A_41 : vector<64x640xi1> to vector<64x640xi32>
    %convert_element_type3A_43 = arith.sitofp %convert_element_type3A_42 : vector<64x640xi32> to vector<64x640xf32>
    %get3A_44 = arith.constant 0 : index
    %get3A_45 = arith.constant 0 : index
    %get3A_46 = vector.load %arg10[%get3A_44, %get3A_45] : memref<64x128xf32, #tpu.memory_space<vmem>>, vector<64x128xf32>
    %dot_general3A_47 = arith.constant dense<0.000000e+00> : vector<64x128xf32>
    %dot_general3A_48 = tpu.matmul %convert_element_type3A_43, %max3A_34, %dot_general3A_47 {dimension_numbers = #tpu.dot_dimension_numbers<[1], [0], [0], [1], [0, 0, 1, 1], [], []>, transpose_lhs_hint = false} : vector<64x640xf32>, vector<640x128xf32>, vector<64x128xf32> -> vector<64x128xf32>
    %add3A_49 = arith.addf %get3A_46, %dot_general3A_48 : vector<64x128xf32>
    %swap3A = arith.constant 0 : index
    %swap3A_50 = arith.constant 0 : index
    %swap3A_51 = vector.load %arg10[%swap3A, %swap3A_50] : memref<64x128xf32, #tpu.memory_space<vmem>>, vector<64x128xf32>
    tpu.vector_store %arg10[%swap3A, %swap3A_50], %add3A_49 {strides = array<i32>} : memref<64x128xf32, #tpu.memory_space<vmem>>, vector<64x128xf32>,
    %get3A_52 = arith.constant 0 : index
    %get3A_53 = arith.constant 0 : index
    %get3A_54 = vector.load %arg11[%get3A_52, %get3A_53] : memref<64x128xf32, #tpu.memory_space<vmem>>, vector<64x128xf32>
    %reduce_sum3A = arith.constant dense<0.000000e+00> : vector<64xf32>
    %reduce_sum3A_55 = vector.multi_reduction <add>, %convert_element_type3A_43, %reduce_sum3A [1] : vector<64x640xf32> to vector<64xf32>
    %broadcast_in_dim3A = vector.shape_cast %reduce_sum3A_55 : vector<64xf32> to vector<64x1xf32>
    %broadcast_in_dim3A_56 = vector.shape_cast %broadcast_in_dim3A : vector<64x1xf32> to vector<64x1xf32>
    %broadcast_in_dim3A_57 = vector.broadcast %broadcast_in_dim3A_56 : vector<64x1xf32> to vector<64x128xf32>
    %add3A_58 = arith.addf %get3A_54, %broadcast_in_dim3A_57 : vector<64x128xf32>
    %swap3A_59 = arith.constant 0 : index
    %swap3A_60 = arith.constant 0 : index
    %swap3A_61 = vector.load %arg11[%swap3A_59, %swap3A_60] : memref<64x128xf32, #tpu.memory_space<vmem>>, vector<64x128xf32>
    tpu.vector_store %arg11[%swap3A_59, %swap3A_60], %add3A_58 {strides = array<i32>} : memref<64x128xf32, #tpu.memory_space<vmem>>, vector<64x128xf32>,
    %eq3A_62 = arith.constant 15 : i32
    %eq3A_63 = arith.cmpi eq, %arg0, %eq3A_62 : i32
    %convert_element_type3A_64 = arith.extui %eq3A_63 : i1 to i32
    %cond3A_65 = arith.constant 0 : i32
    %cond3A_66 = arith.cmpi ne, %convert_element_type3A_64, %cond3A_65 : i32
    scf.if %cond3A_66 {
      %get3A_67 = arith.constant 0 : index
      %get3A_68 = arith.constant 0 : index
      %get3A_69 = vector.load %arg10[%get3A_67, %get3A_68] : memref<64x128xf32, #tpu.memory_space<vmem>>, vector<64x128xf32>
      %get3A_70 = arith.constant 0 : index
      %get3A_71 = arith.constant 0 : index
      %get3A_72 = vector.load %arg11[%get3A_70, %get3A_71] : memref<64x128xf32, #tpu.memory_space<vmem>>, vector<64x128xf32>
      %max3A_73 = arith.constant 1.000000e+00 : f32
      %max3A_74 = vector.broadcast %max3A_73 : f32 to vector<64x128xf32>
      %max3A_75 = arith.maximumf %get3A_72, %max3A_74 : vector<64x128xf32>
      %div3A = arith.divf %get3A_69, %max3A_75 : vector<64x128xf32>
      %swap3A_76 = arith.constant 0 : index
      %swap3A_77 = arith.constant 0 : index
      %swap3A_78 = vector.load %arg9[%swap3A_76, %swap3A_77] : memref<64x128xf32, #tpu.memory_space<vmem>>, vector<64x128xf32>
      tpu.vector_store %arg9[%swap3A_76, %swap3A_77], %div3A {strides = array<i32>} : memref<64x128xf32, #tpu.memory_space<vmem>>, vector<64x128xf32>,
    } else {
    }
    return
  }
  func.func @transform_0(%arg0: i32) -> (i32, i32) {
    %c0_i32 = arith.constant 0 : i32
    %c0_i32_0 = arith.constant 0 : i32
    return %arg0, %c0_i32 : i32, i32
  }
  func.func @transform_1(%arg0: i32) -> (i32, i32) {
    %c0_i32 = arith.constant 0 : i32
    %c0_i32_0 = arith.constant 0 : i32
    return %arg0, %c0_i32 : i32, i32
  }
  func.func @transform_2(%arg0: i32) -> (i32, i32) {
    %c0_i32 = arith.constant 0 : i32
    %c0_i32_0 = arith.constant 0 : i32
    return %arg0, %c0_i32 : i32, i32
  }
  func.func @transform_3(%arg0: i32) -> (i32, i32, i32) {
    %c0_i32 = arith.constant 0 : i32
    %c0_i32_0 = arith.constant 0 : i32
    %c0_i32_1 = arith.constant 0 : i32
    return %arg0, %c0_i32, %c0_i32_0 : i32, i32, i32
  }
  func.func @transform_4(%arg0: i32) -> (i32, i32) {
    %c0_i32 = arith.constant 0 : i32
    %c0_i32_0 = arith.constant 0 : i32
    %c0_i32_1 = arith.constant 0 : i32
    return %c0_i32, %c0_i32_0 : i32, i32
  }
  func.func @transform_5(%arg0: i32) -> (i32, i32) {
    %c0_i32 = arith.constant 0 : i32
    %c0_i32_0 = arith.constant 0 : i32
    %c0_i32_1 = arith.constant 0 : i32
    return %c0_i32, %c0_i32_0 : i32, i32
  }
  func.func @transform_6(%arg0: i32) -> (i32, i32) {
    %c0_i32 = arith.constant 0 : i32
    %c0_i32_0 = arith.constant 0 : i32
    %c0_i32_1 = arith.constant 0 : i32
    return %c0_i32, %c0_i32_0 : i32, i32
  }
  func.func @transform_7(%arg0: i32) -> (i32, i32) {
    %c0_i32 = arith.constant 0 : i32
    %c0_i32_0 = arith.constant 0 : i32
    %c0_i32_1 = arith.constant 0 : i32
    return %c0_i32, %c0_i32_0 : i32, i32
  }
  func.func @transform_8(%arg0: i32) -> (i32, i32) {
    %c0_i32 = arith.constant 0 : i32
    %c0_i32_0 = arith.constant 0 : i32
    %c0_i32_1 = arith.constant 0 : i32
    return %c0_i32, %c0_i32_0 : i32, i32
  }
}

</mosaic_0001>

<sc_bundles>
// kernel: kernel.4.cloned.1.call-start
scs
__scs_entry_jumppad:
0x0: {  	(pc) =	sbr.rel $0x88, $3  }
0x1: {  	(tag) =	ssettag $0x0;
	lr =	simm.s32 $0x1  }
0x2: {  	[smem:$0x3F9A] =	sst lr;
	_ =	strace $0xD0000000  }
0x3: {  	_ = 	snop  }
0x4: {  	_ = 	snop  }
0x5: {  	_ = 	snop  }
0x6: {  	_ = 	snop  }
0x7: {  	_ = 	snop  }
__scs_overlays_trampoline_lowered:
0x8: {  	[smem:$0x3FA9] =	sst s0  }
0x9: {  	[smem:$0x3FAA] =	sst s1  }
0xa: {  	[smem:$0x3FAB] =	sst s2  }
0xb: {  	[smem:$0x3FAC] =	sst s3  }
0xc: {  	[smem:$0x3FAD] =	sst s4  }
0xd: {  	[smem:$0x3FAE] =	sst s5  }
0xe: {  	[smem:$0x3FAF] =	sst s6  }
0xf: {  	[smem:$0x3FB0] =	sst s7  }
0x10: {  	[smem:$0x3FB1] =	sst s8  }
0x11: {  	[smem:$0x3FB2] =	sst s9;
	s0 =	simm.s32 @!p0 $0x0  }
0x12: {  	s1 =	sld [smem:$0x3F98];
	s0 =	simm.s32 @p0 $0x1  }
0x13: {  	[smem:$0x3FB3] =	sst s0;
	s0 =	simm.s32 @!p1 $0x0  }
0x14: {  	s2 =	sld [smem:$0x3F97];
	s0 =	simm.s32 @p1 $0x1  }
0x15: {  	[smem:$0x3FB4] =	sst s0;
	s0 =	simm.s32 @!p2 $0x0  }
0x16: {  	s3 =	sld [smem:$0x3FDB];
	s0 =	simm.s32 @p2 $0x1  }
0x17: {  	s4 =	simm.s32 $0x1BF5;
	[smem:$0x3FB6] =	sst s0  }
0x18: {  	s0 =	sld [smem:$0x3F99];
	_ =	swait.ge [sflag:s4], $0x0  }
0x19: {  	s7 =	sld [smem:$0x3F9A]  }
0x1a: {  	s8 =	sadd.s32 $0xFFFFE003, lr  }
0x1b: {  	s9 =	sadd.s32 $0xFFFFFEF7, lr;
	s5 =	simm.s32 $0xFFFFFFFF;
	p2 =	slt.u32 s8, $0xFFFFF086  }
0x1c: {  	p1 =	slt.u32 s9, $0xF7A;
	s5 =	simm.s32 @!p2 $0x0  }
0x1d: {  	s5 =	simm.s32 @p1 $0x1;
	p0 =	seq.s32 s7, s2  }
0x1e: {  	s7 =	smul.u32 @!p0 $0xF7A, s2;
	p2 =	seq.s32 @!p0 s5, $0x0  }
0x1f: {  	s9 =	smul.u32 $0xF7A, s1;
	s8 =	simm.s32 @!p0 $0x1BF5;
	p2 =	por !p2, p0  }
0x20: {  	[sflag:s8] =	ssyncset.s32 @!p0 $0xFFFFF086;
	s6 =	sadd.s32 @!p0 s3, s7;
	s7 =	simm.s32 @!p0 $0x108  }
0x21: {  	s3 =	sadd.s32 s3, s9;
	s6 =	sadd.s32 @!p0 $0x88, s6;
	s7 =	simm.s32 @p2 $0x1082  }
0x22: {  	[simem:s7], [sflag:s8] =	dma.local @!p0 [hbm:s6], $0xF7A  }
0x23: {  	s9 =	sor.u32 $0xD0000000, s2;
	s6 =	simm.s32 $0x108;
	_ =	swait.ge @!p0 [sflag:s8], $0x0  }
0x24: {  	s3 =	sadd.s32 $0x88, s3;
	s6 =	simm.s32 @!p1 $0x1082;
	[sflag:s4] =	ssyncset.s32 $0xFFFFF086  }
0x25: {  	[simem:s6], [sflag:s4] =	dma.local [hbm:s3], $0xF7A  }
0x26: {  	[smem:$0x3F9A] =	sst s1;
	(tag) =	ssettag s2;
	_ =	strace s9  }
0x27: {  	s1 =	sld [smem:$0x3FAA]  }
0x28: {  	s2 =	sld [smem:$0x3FAB]  }
0x29: {  	s4 =	sld [smem:$0x3FAD]  }
0x2a: {  	p0 =	seq.s32 s5, $0x0;
	s5 =	sld [smem:$0x3FAE]  }
0x2b: {  	s6 =	sld [smem:$0x3FAF]  }
0x2c: {  	s7 =	sld [smem:$0x3FB0]  }
0x2d: {  	s3 =	simm.s32 $0x108;
	s8 =	sld [smem:$0x3FB1]  }
0x2e: {  	s3 =	simm.s32 @!p0 $0x1082;
	s9 =	sld [smem:$0x3FB2]  }
0x2f: {  	lr =	sadd.s32 s0, s3;
	s0 =	sld [smem:$0x3FA9]  }
0x30: {  	s3 =	sld [smem:$0x3FAC]  }
0x31: {  	[smem:$0x3FB5] =	sst s10  }
0x32: {  	s10 =	sld [smem:$0x3FB3];
	_ =	sdelay $0x3  }
0x33: {  	p0 =	seq.s32 s10, $0x1;
	s10 =	sld [smem:$0x3FB5];
	_ =	sdelay $0x3  }
0x34: {  	[smem:$0x3FB5] =	sst s10  }
0x35: {  	s10 =	sld [smem:$0x3FB4];
	_ =	sdelay $0x3  }
0x36: {  	p1 =	seq.s32 s10, $0x1;
	s10 =	sld [smem:$0x3FB5];
	_ =	sdelay $0x3  }
0x37: {  	[smem:$0x3FB5] =	sst s10  }
0x38: {  	s10 =	sld [smem:$0x3FB6]  }
0x39: {  	_ = 	snop;
	(pc) =	sbr.ind lr, $3  }
0x3a: {  	_ = 	snop  }
0x3b: {  	_ = 	snop  }
0x3c: {  	p2 =	seq.s32 s10, $0x1;
	s10 =	sld [smem:$0x3FB5]  }
0x3d: {  	_ =	shalt  }
0x3e: {  	_ =	shalt  }
0x3f: {  	_ =	shalt  }
0x40: {  	_ =	shalt  }
0x41: {  	_ =	shalt  }
0x42: {  	_ =	shalt  }
0x43: {  	_ =	shalt  }
0x44: {  	_ =	shalt  }
0x45: {  	_ =	shalt  }
0x46: {  	_ =	shalt  }
0x47: {  	_ =	shalt  }
0x48: {  	_ =	shalt  }
0x49: {  	_ =	shalt  }
0x4a: {  	_ =	shalt  }
0x4b: {  	_ =	shalt  }
0x4c: {  	_ =	shalt  }
0x4d: {  	_ =	shalt  }
0x4e: {  	_ =	shalt  }
0x4f: {  	_ =	shalt  }
0x50: {  	_ =	shalt  }
0x51: {  	_ =	shalt  }
0x52: {  	_ =	shalt  }
0x53: {  	_ =	shalt  }
0x54: {  	_ =	shalt  }
0x55: {  	_ =	shalt  }
0x56: {  	_ =	shalt  }
0x57: {  	_ =	shalt  }
0x58: {  	_ =	shalt  }
0x59: {  	_ =	shalt  }
0x5a: {  	_ =	shalt  }
0x5b: {  	_ =	shalt  }
0x5c: {  	_ =	shalt  }
0x5d: {  	_ =	shalt  }
0x5e: {  	_ =	shalt  }
0x5f: {  	_ =	shalt  }
0x60: {  	_ =	shalt  }
0x61: {  	_ =	shalt  }
0x62: {  	_ =	shalt  }
0x63: {  	_ =	shalt  }
0x64: {  	_ =	shalt  }
0x65: {  	_ =	shalt  }
0x66: {  	_ =	shalt  }
0x67: {  	_ =	shalt  }
0x68: {  	_ =	shalt  }
0x69: {  	_ =	shalt  }
0x6a: {  	_ =	shalt  }
0x6b: {  	_ =	shalt  }
0x6c: {  	_ =	shalt  }
0x6d: {  	_ =	shalt  }
0x6e: {  	_ =	shalt  }
0x6f: {  	_ =	shalt  }
0x70: {  	_ =	shalt  }
0x71: {  	_ =	shalt  }
0x72: {  	_ =	shalt  }
0x73: {  	_ =	shalt  }
0x74: {  	_ =	shalt  }
0x75: {  	_ =	shalt  }
0x76: {  	_ =	shalt  }
0x77: {  	_ =	shalt  }
0x78: {  	_ =	shalt  }
0x79: {  	_ =	shalt  }
0x7a: {  	_ =	shalt  }
0x7b: {  	_ =	shalt  }
0x7c: {  	_ =	shalt  }
0x7d: {  	_ =	shalt  }
0x7e: {  	_ =	shalt  }
0x7f: {  	_ =	shalt  }
0x80: {  	_ =	shalt  }
0x81: {  	_ =	shalt  }
0x82: {  	_ =	shalt  }
0x83: {  	_ =	shalt  }
0x84: {  	_ =	shalt  }
0x85: {  	_ =	shalt  }
0x86: {  	_ =	shalt  }
0x87: {  	_ =	shalt  }
.Lfunc_end0:
.L_simem_size_0:
called_computation_lowered:
.L_overlay_start_0:
0x88: {  	s2 =	sld [smem:$0x3FD9]  }
0x89: {  	s3 =	sld [smem:$0x3FFE];
	_ =	sdelay $0x1  }
0x8a: {  	s1 =	srdreg.scid  }
0x8b: {  	s0 =	sand.u32 $0x1, s1  }
0x8c: {  	s17 =	sshll.u32 s0, $0xA;
	s2 =	sadd.s32 s3, s2  }
0x8d: {  	s2 =	sadd.s32 s2, s17  }
0x8e: {  	[smem:$0x3FC1] =	sst s2  }
0x8f: {  	_ = 	snop  }
0x90: {  	s2 =	sld [smem:$0x3FC9];
	(tm) =	ssettm $0x1  }
0x91: {  	s18 =	sld [smem:$0x3FFB];
	_ =	sdelay $0x3  }
0x92: {  	_ =	strace s18  }
0x93: {  	s3 =	sld [smem:$0x3FFC];
	_ =	sdelay $0x3  }
0x94: {  	_ =	strace s3  }
0x95: {  	s3 =	sld [smem:$0x3FFD];
	_ =	sdelay $0x3  }
0x96: {  	_ =	strace s3  }
0x97: {  	_ =	strace $0x8FFFFFFF  }
0x98: {  	s19 =	sld [smem:$0x3FDB];
	_ =	sdelay $0x1  }
0x99: {  	s4 =	simm.s32 $_scs_section_size  }
0x9a: {  	s5 =	simm.s32 $_size__tile_overlayer_lowered;
	s6 =	simm.s32 $_tile_overlayer_lowered  }
0x9b: {  	s22 =	simm.s32 $0x1BFF;
	s21 =	sshll.u32 s6, $0x1;
	s3 =	sadd.s32 s4, s19  }
0x9c: {  	s7 =	simm.s32 $0x0;
	s20 =	sshll.u32 s5, $0x1;
	s5 =	sadd.s32 s21, s3  }
0x9d: {  	[timem:s7], [sflag:s22] =	dma.local [hbm:s5], s20  }
0x9e: {  	_ =	swait.ge [sflag:s22], s20  }
0x9f: {  	s4 =	ssub.s32 $0x0, s20;
	[sflag:s22] =	ssyncset.done $0x0  }
0xa0: {  	[sflag:s22] =	ssyncadd.s32 s4;
	_ =	sdelay $0x1  }
0xa1: {  	s23 =	simm.s32 $0x1B8B  }
0xa2: {  	_ =	swait.ge [sflag:s23], $0x1  }
0xa3: {  	[sflag:s23] =	ssyncset.done $0x0  }
0xa4: {  	s25 =	simm.s32 $0x1B8E;
	s24 =	sld [smem:$0x3FFE];
	[sflag:s23] =	ssyncadd.s32 $0xFFFFFFFF  }
0xa5: {  	s26 =	simm.s32 $execute0_lowered;
	[smem:$0x3FD2] =	sst s25  }
0xa6: {  	s5 =	sshll.u32 s26, $0x1;
	_ =	strace $0x80000046;
	[dreg:$0x1] =	wrdreg $0xFFFFFFFF  }
0xa7: {  	s28 =	simm.s32 $_size_execute0_lowered;
	s3 =	sadd.s32 s3, s5;
	[dreg:$0x0] =	wrdreg $0x0  }
0xa8: {  	s5 =	sshll.u32 s28, $0x1;
	[dreg:$0x2] =	wrdreg s3  }
0xa9: {  	[dreg:$0x3] =	wrdreg s5  }
0xaa: {  	[dreg:$0x4] =	wrdreg $0xC0  }
0xab: {  	_ =	task [dreg:s7], $0x5FFFF  }
0xac: {  	[dreg:$0x1] =	wrdreg $0xFFFFFFFF  }
0xad: {  	[dreg:$0x0] =	wrdreg $0x60  }
0xae: {  	[dreg:$0x2] =	wrdreg s2  }
0xaf: {  	[dreg:$0x3] =	wrdreg s24  }
0xb0: {  	[dreg:$0x4] =	wrdreg $0x54000  }
0xb1: {  	[dreg:$0x5] =	wrdreg $0x9  }
0xb2: {  	_ =	task.clear_ibuf [dreg:s7], $0x6FFFF;
	_ =	strace $0x90000046  }
0xb3: {  	s29 =	simm.s32 $0x9;
	_ =	strace $0x80000048  }
0xb4: {  	_ =	swait.ge [sflag:s29], $0x1  }
0xb5: {  	[sflag:s29] =	ssyncadd.s32 $0xFFFFFFFF  }
0xb6: {  	_ =	strace $0x90000048  }
0xb7: {  	_ =	sfence  }
0xb8: {  	s30 =	sld [smem:$0x0];
	_ =	sdelay $0x2  }
0xb9: {  	s31 =	sshll.u32 s1, $0xD;
	s1 =	sshrl.u32 s1, $0x2  }
0xba: {  	s3 =	sand.u32 $0x4000, s31;
	s1 =	sadd.s32 s1, s30  }
0xbb: {  	s0 =	sor.u32 s3, s0;
	s1 =	sshll.u32 s1, $0x11  }
0xbc: {  	s0 =	sor.u32 s1, s0  }
0xbd: {  	s0 =	sadd.s32 $0x8F2B, s0  }
0xbe: {  	[sflag:s0] =	ssyncadd.remote.s32 $0x1  }
0xbf: {  	_ =	sfence.sel $0xFFFF  }
0xc0: {  	[dreg:$0x0] =	wrdreg $0xFFFFFFFF;
	(pc) =	sbr.abs _section_cstart, $3  }
0xc1: {  	[dreg:$0x1] =	wrdreg $0xFFFFFFFF  }
0xc2: {  	_ =	task.clear_ibuf [dreg:s7], $0x2FFFF;
	_ =	strace $0x9FFFFFFF  }
0xc3: {  	(tm) =	ssettm $0x7FFFFFFF  }
tec
execute0_lowered:
.L_overlay_start_1:
0x0: {  	(tag) =	ssettag $0x1  }
0x1: {  	s1 =	rddreg [dreg:$0x0]  }
0x2: {  	s0 =	rddreg [dreg:$0x1]  }
0x3: {  	s12 =	stileid.u32;
	s2 =	srdreg.scid  }
0x4: {  	s3 =	rddreg [dreg:$0x2];
	s4 =	simm.s32 $0x0;
	s28 =	simm.s32 $0x28  }
0x5: {  	s29 =	simm.s32 $0x400;
	s30 =	simm.s32 $0x1800;
	s5 =	smul.u32 $0x14000, s12  }
0x6: {  	s31 =	simm.s32 $0x2;
	s2 =	sand.u32 $0x1, s2;
	s11 =	smul.u32 $0x50000, s12  }
0x7: {  	[smem:$0x7FF] =	sst s4;
	s8 =	sadd.s32 $0x15000, s0;
	s18 =	smul.u32 $0x5000, s12  }
0x8: {  	s17 =	sshll.u32 s12, $0x6;
	s6 =	smul.u32 $0x140000, s2;
	_ =	strace $0x80000047  }
0x9: {  	s9 =	ssub.s32 $0x2, s2;
	s10 =	sshll.u32 s2, $0x4;
	s2 =	smul.u32 $0x50000, s2  }
0xa: {  	s7 =	sshrl.u32 s5, $0x3;
	s14 =	sshrl.u32 s9, $0x1;
	s10 =	sor.u32 s12, s10  }
0xb: {  	s16 =	sshrl.u32 s11, $0x2;
	s7 =	sadd.s32 s7, s0;
	s5 =	sadd.s32 s5, s6  }
0xc: {  	s6 =	sadd.s32 $0x1000, s0;
	s15 =	smul.u32 $0x5000, s10;
	s10 =	sadd.s32 s16, s3  }
0xd: {  	s2 =	sadd.s32 s18, s2;
	s5 =	sshrl.u32 s5, $0x3;
	[dreg:$0xf] =	wrdreg s10  }
0xe: {  	s7 =	sadd.s32 $0x29000, s7;
	s25 =	sor.u32 $0x230, s2;
	s0 =	sadd.s32 s5, s0  }
0xf: {  	s5 =	ssub.s32 s9, s14;
	[dreg:$0x10] =	wrdreg s7;
	s9 =	sshrl.u32 s15, $0x3  }
0x10: {  	s7 =	sor.u32 $0x1C07, s17;
	s13 =	sshrl.u32 s25, $0x3;
	s25 =	simm.s32 $0x128  }
0x11: {  	s14 =	sor.u32 $0x1E0, s2;
	s19 =	sadd.s32 s6, s9;
	[dreg:$0xd] =	wrdreg s25  }
0x12: {  	s17 =	sor.u32 $0x190, s2;
	s21 =	sadd.s32 s8, s9;
	[dreg:$0x11] =	wrdreg s19  }
0x13: {  	s2 =	sor.u32 $0x140, s2;
	s11 =	sadd.s32 s13, s8;
	[dreg:$0x12] =	wrdreg s21  }
0x14: {  	s20 =	sor.u32 $0xA, s9;
	s0 =	sadd.s32 $0x51000, s0;
	[dreg:$0x4] =	wrdreg s11  }
0x15: {  	s24 =	sor.u32 $0x14, s9;
	s22 =	sadd.s32 s6, s20;
	[dreg:$0x19] =	wrdreg s0  }
0x16: {  	s9 =	sor.u32 $0x1E, s9;
	s23 =	sadd.s32 s8, s20;
	[dreg:$0x13] =	wrdreg s22  }
0x17: {  	s15 =	sshrl.u32 s14, $0x3;
	s26 =	sadd.s32 s6, s24;
	[dreg:$0x14] =	wrdreg s23  }
0x18: {  	s2 =	sshrl.u32 s2, $0x3;
	s10 =	sadd.s32 s8, s24;
	[dreg:$0x15] =	wrdreg s26  }
0x19: {  	s25 =	simm.s32 $0x380;
	s16 =	sadd.s32 s15, s8;
	[dreg:$0x16] =	wrdreg s10  }
0x1a: {  	s18 =	sadd.s32 s15, s6;
	s19 =	sshrl.u32 s17, $0x3;
	[dreg:$0x6] =	wrdreg s16  }
0x1b: {  	s17 =	smax.u32 s5, $0x1;
	s24 =	simm.s32 $0xA8;
	[dreg:$0x7] =	wrdreg s18  }
0x1c: {  	s0 =	simm.s32 $0x4000;
	s10 =	sadd.s32 s13, s6;
	[dreg:$0xc] =	wrdreg s24  }
0x1d: {  	s5 =	simm.s32 $0x5;
	s20 =	sadd.s32 s19, s8;
	[dreg:$0x5] =	wrdreg s10  }
0x1e: {  	s11 =	simm.s32 $0x0;
	s22 =	sadd.s32 s6, s9;
	[dreg:$0x8] =	wrdreg s20  }
0x1f: {  	s21 =	sadd.s32 s19, s6;
	s23 =	sadd.s32 s2, s8;
	[dreg:$0x17] =	wrdreg s22  }
0x20: {  	s8 =	sadd.s32 s8, s9;
	s2 =	sadd.s32 s2, s6;
	[dreg:$0x9] =	wrdreg s21  }
0x21: {  	s18 =	simm.s32 $0x7;
	s19 =	simm.s32 $0x200;
	[dreg:$0x18] =	wrdreg s8  }
0x22: {  	s24 =	simm.s32 $0x180;
	s26 =	simm.s32 $0x1A8;
	[dreg:$0xa] =	wrdreg s23  }
0x23: {  	s6 =	simm.s32 $0x50;
	s9 =	simm.s32 $0x6;
	[dreg:$0xb] =	wrdreg s2  }
0x24: {  	s20 =	simm.s32 $0x80;
	s21 =	simm.s32 $0x280;
	s22 =	simm.s32 $0x100  }
0x25: {  	s23 =	simm.s32 $0x300;
	[dreg:$0xe] =	wrdreg s26;
	s26 =	simm.s32 $0x1  }
0x26: {  	s2 =	simm.s32 $0x2C00;
	s8 =	simm.s32 $0x3;
	s10 =	simm.s32 $0x4  }
.LBB2_1:
0x27: {  	s12 =	rddreg [dreg:$0xf]  }
0x28: {  	s13 =	rddreg [dreg:$0x10];
	s12 =	sshrl.u32 s12, $0x3  }
0x29: {  	[spmem:s12], [sflag:s7] =	dma.local [hbm:s13], $0x2800  }
0x2a: {  	_ =	swait.ge [sflag:s18], $0x2800  }
0x2b: {  	[sflag:s18] =	ssyncset.done $0x0  }
0x2c: {  	[sflag:s18] =	ssyncadd.s32 $0xFFFFD800  }
0x2d: {  	[bflag:$0x0] =	sbarrier.arrive $0xFFFF  }
0x2e: {  	s16 =	rddreg [dreg:$0x11]  }
0x2f: {  	[tilespmem:s4], [sflag:$0x1] =	stream.linear.gather [hbm4b:s16+s4], $0x50, $0x38;
	[tilespmem:$0x19400] =	vst v63  }
0x30: {  	s14 =	rddreg [dreg:$0x12]  }
0x31: {  	[tilespmem:s19], [sflag:$0x1] =	stream.linear.gather [hbm4b:s14+s4], $0x50, $0x38;
	[tilespmem:$0x19400] =	vst v63  }
0x32: {  	s15 =	rddreg [dreg:$0x13]  }
0x33: {  	[tilespmem:s20], [sflag:$0x2] =	stream.linear.gather [hbm4b:s15+s4], $0x50, $0x38;
	[tilespmem:$0x19400] =	vst v63  }
0x34: {  	s16 =	rddreg [dreg:$0x14]  }
0x35: {  	[tilespmem:s21], [sflag:$0x2] =	stream.linear.gather [hbm4b:s16+s4], $0x50, $0x38;
	[tilespmem:$0x19400] =	vst v63  }
0x36: {  	s14 =	rddreg [dreg:$0x15]  }
0x37: {  	[tilespmem:s22], [sflag:$0x3] =	stream.linear.gather [hbm4b:s14+s4], $0x50, $0x38;
	[tilespmem:$0x19400] =	vst v63  }
0x38: {  	s15 =	rddreg [dreg:$0x16]  }
0x39: {  	[tilespmem:s23], [sflag:$0x3] =	stream.linear.gather [hbm4b:s15+s4], $0x50, $0x38;
	[tilespmem:$0x19400] =	vst v63  }
0x3a: {  	s16 =	rddreg [dreg:$0x17]  }
0x3b: {  	[tilespmem:s24], [sflag:$0x4] =	stream.linear.gather [hbm4b:s16+s4], $0x50, $0x38;
	[tilespmem:$0x19400] =	vst v63  }
0x3c: {  	s14 =	rddreg [dreg:$0x18]  }
0x3d: {  	[tilespmem:s25], [sflag:$0x4] =	stream.linear.gather [hbm4b:s14+s4], $0x50, $0x38;
	[tilespmem:$0x19400] =	vst v63  }
0x3e: {  	_ =	swait.ge [sflag:s26], $0x50  }
0x3f: {  	[sflag:s26] =	ssyncset.done $0x0  }
0x40: {  	[sflag:s26] =	ssyncadd.s32 $0xFFFFFFB0  }
0x41: {  	_ =	swait.ge [sflag:s26], $0x50  }
0x42: {  	[sflag:s26] =	ssyncset.done $0x0  }
0x43: {  	[sflag:s26] =	ssyncadd.s32 $0xFFFFFFB0  }
0x44: {  	[tilespmem:s29], [sflag:$0x5] =	stream.indirect.gather [hbm4b:s1+s28], $0x80, s4, s28, $0xb8;
	[tilespmem:$0x19400] =	vst v63  }
0x45: {  	_ = 	snop  }
0x46: {  	[tilespmem:s30], [sflag:$0x5] =	stream.indirect.gather [hbm4b:s1+s28], $0x80, s28, s28, $0xb8;
	[tilespmem:$0x19400] =	vst v63  }
0x47: {  	_ =	swait.ge [sflag:s31], $0x50  }
0x48: {  	[sflag:s31] =	ssyncset.done $0x0  }
0x49: {  	[sflag:s31] =	ssyncadd.s32 $0xFFFFFFB0  }
0x4a: {  	_ =	swait.ge [sflag:s31], $0x50  }
0x4b: {  	[sflag:s31] =	ssyncset.done $0x0  }
0x4c: {  	[sflag:s31] =	ssyncadd.s32 $0xFFFFFFB0  }
0x4d: {  	[tilespmem:s2], [sflag:$0x6] =	stream.indirect.gather [hbm4b:s1+s28], $0x80, s20, s28, $0xb8;
	[tilespmem:$0x19400] =	vst v63  }
0x4e: {  	s15 =	rddreg [dreg:$0xc]  }
0x4f: {  	[tilespmem:s0], [sflag:$0x6] =	stream.indirect.gather [hbm4b:s1+s28], $0x80, s15, s28, $0xb8;
	[tilespmem:$0x19400] =	vst v63  }
0x50: {  	_ =	swait.ge [sflag:s5], $0x2800  }
0x51: {  	[sflag:s5] =	ssyncset.done $0x0  }
0x52: {  	[sflag:s5] =	ssyncadd.s32 $0xFFFFD800  }
0x53: {  	[spmem:s3] =	stream.indirect.scatter.add.f32 [tilespmem:s29], [sflag:$0x7], $0x80, s19, s6, $0xb8;
	[tilespmem:$0x19400] =	vst v63  }
0x54: {  	_ =	swait.ge [sflag:s18], $0x2800  }
0x55: {  	s16 =	rddreg [dreg:$0xb];
	[sflag:s18] =	ssyncset.done $0x0  }
0x56: {  	s14 =	rddreg [dreg:$0xa];
	[sflag:s18] =	ssyncadd.s32 $0xFFFFD800;
	s13 =	sadd.s32 $0x0, s16  }
0x57: {  	[tilespmem:s4], [sflag:$0x1] =	stream.linear.gather [hbm4b:s13+s4], $0x50, $0x38;
	[tilespmem:$0x19400] =	vst v63  }
0x58: {  	s15 =	sadd.s32 $0x0, s14  }
0x59: {  	[tilespmem:s19], [sflag:$0x1] =	stream.linear.gather [hbm4b:s15+s4], $0x50, $0x38;
	[tilespmem:$0x19400] =	vst v63  }
0x5a: {  	_ =	swait.ge [sflag:s8], $0x50  }
0x5b: {  	[sflag:s8] =	ssyncset.done $0x0  }
0x5c: {  	[sflag:s8] =	ssyncadd.s32 $0xFFFFFFB0  }
0x5d: {  	_ =	swait.ge [sflag:s8], $0x50  }
0x5e: {  	[sflag:s8] =	ssyncset.done $0x0  }
0x5f: {  	[sflag:s8] =	ssyncadd.s32 $0xFFFFFFB0  }
0x60: {  	[tilespmem:s29], [sflag:$0x5] =	stream.indirect.gather [hbm4b:s1+s28], $0x80, s22, s28, $0xb8;
	[tilespmem:$0x19400] =	vst v63  }
0x61: {  	s16 =	rddreg [dreg:$0xd]  }
0x62: {  	[tilespmem:s30], [sflag:$0x5] =	stream.indirect.gather [hbm4b:s1+s28], $0x80, s16, s28, $0xb8;
	[tilespmem:$0x19400] =	vst v63  }
0x63: {  	_ =	swait.ge [sflag:s9], $0x2800  }
0x64: {  	[sflag:s9] =	ssyncset.done $0x0  }
0x65: {  	[sflag:s9] =	ssyncadd.s32 $0xFFFFD800  }
0x66: {  	[spmem:s3] =	stream.indirect.scatter.add.f32 [tilespmem:s2], [sflag:$0x7], $0x80, s21, s6, $0xb8;
	[tilespmem:$0x19400] =	vst v63  }
0x67: {  	_ =	swait.ge [sflag:s18], $0x2800  }
0x68: {  	s14 =	rddreg [dreg:$0x9];
	[sflag:s18] =	ssyncset.done $0x0  }
0x69: {  	s15 =	rddreg [dreg:$0x8];
	[sflag:s18] =	ssyncadd.s32 $0xFFFFD800;
	s13 =	sadd.s32 $0x0, s14  }
0x6a: {  	[tilespmem:s20], [sflag:$0x2] =	stream.linear.gather [hbm4b:s13+s4], $0x50, $0x38;
	[tilespmem:$0x19400] =	vst v63  }
0x6b: {  	s16 =	sadd.s32 $0x0, s15  }
0x6c: {  	[tilespmem:s21], [sflag:$0x2] =	stream.linear.gather [hbm4b:s16+s4], $0x50, $0x38;
	[tilespmem:$0x19400] =	vst v63  }
0x6d: {  	_ =	swait.ge [sflag:s10], $0x50  }
0x6e: {  	[sflag:s10] =	ssyncset.done $0x0  }
0x6f: {  	[sflag:s10] =	ssyncadd.s32 $0xFFFFFFB0  }
0x70: {  	_ =	swait.ge [sflag:s10], $0x50  }
0x71: {  	[sflag:s10] =	ssyncset.done $0x0  }
0x72: {  	[sflag:s10] =	ssyncadd.s32 $0xFFFFFFB0  }
0x73: {  	[tilespmem:s2], [sflag:$0x6] =	stream.indirect.gather [hbm4b:s1+s28], $0x80, s24, s28, $0xb8;
	[tilespmem:$0x19400] =	vst v63  }
0x74: {  	s14 =	rddreg [dreg:$0xe]  }
0x75: {  	[tilespmem:s0], [sflag:$0x6] =	stream.indirect.gather [hbm4b:s1+s28], $0x80, s14, s28, $0xb8;
	[tilespmem:$0x19400] =	vst v63  }
0x76: {  	_ =	swait.ge [sflag:s5], $0x2800  }
0x77: {  	[sflag:s5] =	ssyncset.done $0x0  }
0x78: {  	[sflag:s5] =	ssyncadd.s32 $0xFFFFD800  }
0x79: {  	[spmem:s3] =	stream.indirect.scatter.add.f32 [tilespmem:s29], [sflag:$0x7], $0x80, s23, s6, $0xb8;
	[tilespmem:$0x19400] =	vst v63  }
0x7a: {  	_ =	swait.ge [sflag:s18], $0x2800  }
0x7b: {  	s15 =	rddreg [dreg:$0x7];
	[sflag:s18] =	ssyncset.done $0x0  }
0x7c: {  	s16 =	rddreg [dreg:$0x6];
	[sflag:s18] =	ssyncadd.s32 $0xFFFFD800;
	s13 =	sadd.s32 $0x0, s15  }
0x7d: {  	[tilespmem:s22], [sflag:$0x3] =	stream.linear.gather [hbm4b:s13+s4], $0x50, $0x38;
	[tilespmem:$0x19400] =	vst v63  }
0x7e: {  	s14 =	sadd.s32 $0x0, s16  }
0x7f: {  	[tilespmem:s23], [sflag:$0x3] =	stream.linear.gather [hbm4b:s14+s4], $0x50, $0x38;
	[tilespmem:$0x19400] =	vst v63  }
0x80: {  	_ =	swait.ge [sflag:s26], $0x50  }
0x81: {  	[sflag:s26] =	ssyncset.done $0x0  }
0x82: {  	[sflag:s26] =	ssyncadd.s32 $0xFFFFFFB0  }
0x83: {  	_ =	swait.ge [sflag:s26], $0x50  }
0x84: {  	[sflag:s26] =	ssyncset.done $0x0  }
0x85: {  	[sflag:s26] =	ssyncadd.s32 $0xFFFFFFB0  }
0x86: {  	[tilespmem:s29], [sflag:$0x5] =	stream.indirect.gather [hbm4b:s1+s28], $0x80, s4, s28, $0xb8;
	[tilespmem:$0x19400] =	vst v63  }
0x87: {  	_ = 	snop  }
0x88: {  	[tilespmem:s30], [sflag:$0x5] =	stream.indirect.gather [hbm4b:s1+s28], $0x80, s28, s28, $0xb8;
	[tilespmem:$0x19400] =	vst v63  }
0x89: {  	_ =	swait.ge [sflag:s9], $0x2800  }
0x8a: {  	[sflag:s9] =	ssyncset.done $0x0  }
0x8b: {  	[sflag:s9] =	ssyncadd.s32 $0xFFFFD800  }
0x8c: {  	[spmem:s3] =	stream.indirect.scatter.add.f32 [tilespmem:s2], [sflag:$0x7], $0x80, s25, s6, $0xb8;
	[tilespmem:$0x19400] =	vst v63  }
0x8d: {  	_ =	swait.ge [sflag:s18], $0x2800  }
0x8e: {  	s15 =	rddreg [dreg:$0x5];
	[sflag:s18] =	ssyncset.done $0x0  }
0x8f: {  	s16 =	rddreg [dreg:$0x4];
	[sflag:s18] =	ssyncadd.s32 $0xFFFFD800;
	s13 =	sadd.s32 $0x0, s15  }
0x90: {  	[tilespmem:s24], [sflag:$0x4] =	stream.linear.gather [hbm4b:s13+s4], $0x50, $0x38;
	[tilespmem:$0x19400] =	vst v63  }
0x91: {  	s14 =	sadd.s32 $0x0, s16;
	s13 =	simm.s32 $0x28  }
.LBB2_2:
0x92: {  	[tilespmem:s25], [sflag:$0x4] =	stream.linear.gather [hbm4b:s14+s4], $0x50, $0x38;
	[tilespmem:$0x19400] =	vst v63  }
0x93: {  	_ =	swait.ge [sflag:s31], $0x50  }
0x94: {  	[sflag:s31] =	ssyncset.done $0x0  }
0x95: {  	[sflag:s31] =	ssyncadd.s32 $0xFFFFFFB0  }
0x96: {  	_ =	swait.ge [sflag:s31], $0x50  }
0x97: {  	[sflag:s31] =	ssyncset.done $0x0  }
0x98: {  	[sflag:s31] =	ssyncadd.s32 $0xFFFFFFB0  }
0x99: {  	[tilespmem:s2], [sflag:$0x6] =	stream.indirect.gather [hbm4b:s1+s28], $0x80, s20, s28, $0xb8;
	[tilespmem:$0x19400] =	vst v63  }
0x9a: {  	s15 =	rddreg [dreg:$0xc]  }
0x9b: {  	[tilespmem:s0], [sflag:$0x6] =	stream.indirect.gather [hbm4b:s1+s28], $0x80, s15, s28, $0xb8;
	[tilespmem:$0x19400] =	vst v63  }
0x9c: {  	_ =	swait.ge [sflag:s5], $0x2800  }
0x9d: {  	[sflag:s5] =	ssyncset.done $0x0  }
0x9e: {  	[sflag:s5] =	ssyncadd.s32 $0xFFFFD800  }
0x9f: {  	[spmem:s3] =	stream.indirect.scatter.add.f32 [tilespmem:s29], [sflag:$0x7], $0x80, s19, s6, $0xb8;
	[tilespmem:$0x19400] =	vst v63  }
0xa0: {  	_ =	swait.ge [sflag:s18], $0x2800  }
0xa1: {  	s14 =	smov.u32 s13;
	s15 =	rddreg [dreg:$0xb];
	[sflag:s18] =	ssyncset.done $0x0  }
0xa2: {  	s16 =	rddreg [dreg:$0xa];
	[sflag:s18] =	ssyncadd.s32 $0xFFFFD800;
	s15 =	sadd.s32 s14, s15  }
0xa3: {  	[tilespmem:s4], [sflag:$0x1] =	stream.linear.gather [hbm4b:s15+s4], $0x50, $0x38;
	[tilespmem:$0x19400] =	vst v63  }
0xa4: {  	s16 =	sadd.s32 s14, s16  }
0xa5: {  	[tilespmem:s19], [sflag:$0x1] =	stream.linear.gather [hbm4b:s16+s4], $0x50, $0x38;
	[tilespmem:$0x19400] =	vst v63  }
0xa6: {  	_ =	swait.ge [sflag:s8], $0x50  }
0xa7: {  	[sflag:s8] =	ssyncset.done $0x0  }
0xa8: {  	[sflag:s8] =	ssyncadd.s32 $0xFFFFFFB0  }
0xa9: {  	_ =	swait.ge [sflag:s8], $0x50  }
0xaa: {  	[sflag:s8] =	ssyncset.done $0x0  }
0xab: {  	[sflag:s8] =	ssyncadd.s32 $0xFFFFFFB0  }
0xac: {  	[tilespmem:s29], [sflag:$0x5] =	stream.indirect.gather [hbm4b:s1+s28], $0x80, s22, s28, $0xb8;
	[tilespmem:$0x19400] =	vst v63  }
0xad: {  	s16 =	rddreg [dreg:$0xd]  }
0xae: {  	[tilespmem:s30], [sflag:$0x5] =	stream.indirect.gather [hbm4b:s1+s28], $0x80, s16, s28, $0xb8;
	[tilespmem:$0x19400] =	vst v63  }
0xaf: {  	_ =	swait.ge [sflag:s9], $0x2800  }
0xb0: {  	[sflag:s9] =	ssyncset.done $0x0  }
0xb1: {  	[sflag:s9] =	ssyncadd.s32 $0xFFFFD800  }
0xb2: {  	[spmem:s3] =	stream.indirect.scatter.add.f32 [tilespmem:s2], [sflag:$0x7], $0x80, s21, s6, $0xb8;
	[tilespmem:$0x19400] =	vst v63  }
0xb3: {  	_ =	swait.ge [sflag:s18], $0x2800  }
0xb4: {  	s15 =	rddreg [dreg:$0x9];
	[sflag:s18] =	ssyncset.done $0x0  }
0xb5: {  	s16 =	rddreg [dreg:$0x8];
	[sflag:s18] =	ssyncadd.s32 $0xFFFFD800;
	s15 =	sadd.s32 s14, s15  }
0xb6: {  	[tilespmem:s20], [sflag:$0x2] =	stream.linear.gather [hbm4b:s15+s4], $0x50, $0x38;
	[tilespmem:$0x19400] =	vst v63  }
0xb7: {  	s16 =	sadd.s32 s14, s16  }
0xb8: {  	[tilespmem:s21], [sflag:$0x2] =	stream.linear.gather [hbm4b:s16+s4], $0x50, $0x38;
	[tilespmem:$0x19400] =	vst v63  }
0xb9: {  	_ =	swait.ge [sflag:s10], $0x50  }
0xba: {  	[sflag:s10] =	ssyncset.done $0x0  }
0xbb: {  	[sflag:s10] =	ssyncadd.s32 $0xFFFFFFB0  }
0xbc: {  	_ =	swait.ge [sflag:s10], $0x50  }
0xbd: {  	[sflag:s10] =	ssyncset.done $0x0  }
0xbe: {  	[sflag:s10] =	ssyncadd.s32 $0xFFFFFFB0  }
0xbf: {  	[tilespmem:s2], [sflag:$0x6] =	stream.indirect.gather [hbm4b:s1+s28], $0x80, s24, s28, $0xb8;
	[tilespmem:$0x19400] =	vst v63  }
0xc0: {  	s16 =	rddreg [dreg:$0xe]  }
0xc1: {  	[tilespmem:s0], [sflag:$0x6] =	stream.indirect.gather [hbm4b:s1+s28], $0x80, s16, s28, $0xb8;
	[tilespmem:$0x19400] =	vst v63  }
0xc2: {  	_ =	swait.ge [sflag:s5], $0x2800  }
0xc3: {  	[sflag:s5] =	ssyncset.done $0x0  }
0xc4: {  	[sflag:s5] =	ssyncadd.s32 $0xFFFFD800  }
0xc5: {  	[spmem:s3] =	stream.indirect.scatter.add.f32 [tilespmem:s29], [sflag:$0x7], $0x80, s23, s6, $0xb8;
	[tilespmem:$0x19400] =	vst v63  }
0xc6: {  	_ =	swait.ge [sflag:s18], $0x2800  }
0xc7: {  	s15 =	rddreg [dreg:$0x7];
	[sflag:s18] =	ssyncset.done $0x0  }
0xc8: {  	s16 =	rddreg [dreg:$0x6];
	[sflag:s18] =	ssyncadd.s32 $0xFFFFD800;
	s15 =	sadd.s32 s14, s15  }
0xc9: {  	[tilespmem:s22], [sflag:$0x3] =	stream.linear.gather [hbm4b:s15+s4], $0x50, $0x38;
	[tilespmem:$0x19400] =	vst v63  }
0xca: {  	s16 =	sadd.s32 s14, s16  }
0xcb: {  	[tilespmem:s23], [sflag:$0x3] =	stream.linear.gather [hbm4b:s16+s4], $0x50, $0x38;
	[tilespmem:$0x19400] =	vst v63  }
0xcc: {  	_ =	swait.ge [sflag:s26], $0x50  }
0xcd: {  	[sflag:s26] =	ssyncset.done $0x0  }
0xce: {  	[sflag:s26] =	ssyncadd.s32 $0xFFFFFFB0  }
0xcf: {  	_ =	swait.ge [sflag:s26], $0x50  }
0xd0: {  	[sflag:s26] =	ssyncset.done $0x0  }
0xd1: {  	[sflag:s26] =	ssyncadd.s32 $0xFFFFFFB0  }
0xd2: {  	[tilespmem:s29], [sflag:$0x5] =	stream.indirect.gather [hbm4b:s1+s28], $0x80, s4, s28, $0xb8;
	[tilespmem:$0x19400] =	vst v63  }
0xd3: {  	_ = 	snop  }
0xd4: {  	[tilespmem:s30], [sflag:$0x5] =	stream.indirect.gather [hbm4b:s1+s28], $0x80, s28, s28, $0xb8;
	[tilespmem:$0x19400] =	vst v63  }
0xd5: {  	_ =	swait.ge [sflag:s9], $0x2800  }
0xd6: {  	[sflag:s9] =	ssyncset.done $0x0  }
0xd7: {  	p0 =	sne.s32 s13, $0x9B0;
	[sflag:s9] =	ssyncadd.s32 $0xFFFFD800  }
0xd8: {  	[spmem:s3] =	stream.indirect.scatter.add.f32 [tilespmem:s2], [sflag:$0x7], $0x80, s25, s6, $0xb8;
	[tilespmem:$0x19400] =	vst v63  }
.Ltmp0:
0xd9: {  	_ =	swait.ge [sflag:s18], $0x2800;
	(pc) =	sbr.rel @p0 .LBB2_2-.Ltmp0, $4  }
0xda: {  	s15 =	rddreg [dreg:$0x5]  }
0xdb: {  	s13 =	sadd.s32 $0x28, s13;
	s16 =	rddreg [dreg:$0x4];
	[sflag:s18] =	ssyncset.done $0x0  }
0xdc: {  	[sflag:s18] =	ssyncadd.s32 $0xFFFFD800;
	s15 =	sadd.s32 s14, s15;
	s14 =	sadd.s32 s14, s16  }
0xdd: {  	[tilespmem:s24], [sflag:$0x4] =	stream.linear.gather [hbm4b:s15+s4], $0x50, $0x38;
	[tilespmem:$0x19400] =	vst v63  }
0xde: {  	[tilespmem:s25], [sflag:$0x4] =	stream.linear.gather [hbm4b:s14+s4], $0x50, $0x38;
	[tilespmem:$0x19400] =	vst v63  }
0xdf: {  	_ =	swait.ge [sflag:s5], $0x2800  }
0xe0: {  	[sflag:s5] =	ssyncset.done $0x0  }
0xe1: {  	[sflag:s5] =	ssyncadd.s32 $0xFFFFD800  }
0xe2: {  	_ =	swait.ge [sflag:s31], $0x50  }
0xe3: {  	[sflag:s31] =	ssyncset.done $0x0  }
0xe4: {  	[sflag:s31] =	ssyncadd.s32 $0xFFFFFFB0  }
0xe5: {  	_ =	swait.ge [sflag:s31], $0x50  }
0xe6: {  	[sflag:s31] =	ssyncset.done $0x0  }
0xe7: {  	[sflag:s31] =	ssyncadd.s32 $0xFFFFFFB0  }
0xe8: {  	_ =	swait.ge [sflag:s8], $0x50  }
0xe9: {  	[sflag:s8] =	ssyncset.done $0x0  }
0xea: {  	[sflag:s8] =	ssyncadd.s32 $0xFFFFFFB0  }
0xeb: {  	_ =	swait.ge [sflag:s8], $0x50  }
0xec: {  	[sflag:s8] =	ssyncset.done $0x0  }
0xed: {  	[sflag:s8] =	ssyncadd.s32 $0xFFFFFFB0  }
0xee: {  	_ =	swait.ge [sflag:s10], $0x50  }
0xef: {  	[sflag:s10] =	ssyncset.done $0x0  }
0xf0: {  	[sflag:s10] =	ssyncadd.s32 $0xFFFFFFB0  }
0xf1: {  	_ =	swait.ge [sflag:s10], $0x50  }
0xf2: {  	[sflag:s10] =	ssyncset.done $0x0  }
0xf3: {  	s11 =	sadd.s32 $0x1, s11;
	[sflag:s10] =	ssyncadd.s32 $0xFFFFFFB0  }
0xf4: {  	p0 =	sne.s32 s11, s17;
	[bflag:$0x0] =	sbarrier.arrive $0xFFFF  }
.Ltmp1:
0xf5: {  	s13 =	rddreg [dreg:$0x19];
	(pc) =	sbr.rel @p0 .LBB2_1-.Ltmp1, $4  }
0xf6: {  	[hbm:s13], [sflag:s7] =	dma.local [spmem:s12], $0x2800  }
0xf7: {  	_ =	swait.ge [sflag:s18], $0x2800  }
0xf8: {  	[sflag:s18] =	ssyncset.done $0x0  }
0xf9: {  	[sflag:s18] =	ssyncadd.s32 $0xFFFFD800  }
0xfa: {  	_ =	sfence.sel $0x180000  }
0xfb: {  	[bflag:$0x0] =	sbarrier.arrive $0xFFFF  }
0xfc: {  	_ =	strace $0x90000047  }
0xfd: {  	s0 =	stileid.u32;
	[bflag:$0x2] =	sbarrier.arrive $0xFFFF  }
0xfe: {  	p0 =	sne.s32 s0, $0x0;
	s0 =	rddreg [dreg:$0x3]  }
0xff: {  	s0 =	sadd.s32 @!p0 $0x100000, s0  }
0x100: {  	[sflag:s0] =	ssyncadd.tile.s32 @!p0 $0x1;
	_ =	shalt  }
.Lfunc_end2:
_tile_overlayer_lowered:
.L_overlay_start_2:
0x101: {  	(tag) =	ssettag $0x2  }
0x102: {  	s0 =	rddreg [dreg:$0x0];
	s2 =	stileid.u32  }
0x103: {  	s1 =	rddreg [dreg:$0x1];
	p0 =	sne.s32 s2, $0x0  }
0x104: {  	s3 =	rddreg [dreg:$0x2];
	[bflag:$0x3] =	sbarrier.arrive $0xFFFF;
	s2 =	simm.s32 @!p0 $0x1C07  }
0x105: {  	[timem:s3], [sflag:s2] =	dma.local @!p0 [hbm:s0], s1  }
0x106: {  	s0 =	simm.s32 @!p0 $0x7  }
0x107: {  	_ =	swait.ge @!p0 [sflag:s0], s1  }
0x108: {  	s1 =	ssub.s32 @!p0 $0x0, s1;
	[sflag:s0] =	ssyncset.done @!p0 $0x0  }
0x109: {  	[sflag:s0] =	ssyncadd.s32 @!p0 s1  }
0x10a: {  	[bflag:$0x3] =	sbarrier.arrive $0xFFFF  }
0x10b: {  	_ =	shalt  }

</sc_bundles>
